<compile_context>
chip_gen: v7x
topology: tpu7x:2x2x1
jax: 0.10.2.dev20260603
libtpu: 0.0.44.dev20260713+nightly
codegen_flags: <defaults>
</compile_context>

<pallas_src>
import functools

import jax
import jax.numpy as jnp
from jax import lax
from jax.experimental import pallas as pl
from jax.experimental.pallas import tpu as pltpu
from jax.experimental.pallas import tpu_sc as plsc

N_NUC = 10000
N_CENTER = 320000
MAX_CHARGE = 100
FEAT = 128

NC, NS = 2, 16
NW = NC * NS
PER_W = N_CENTER // NW
CHUNK = 200
NCHUNK = PER_W // CHUNK
NB = 4
NRING = (NCHUNK + NB - 1) // NB

_mesh = plsc.VectorSubcoreMesh(core_axis_name="c", subcore_axis_name="s")


@functools.partial(
    pl.kernel,
    out_type=jax.ShapeDtypeStruct((N_CENTER, FEAT), jnp.float32),
    mesh=_mesh,
    scratch_types=(
        [pltpu.VMEM_SHARED((N_NUC,), jnp.int32)]
        + [pltpu.VMEM_SHARED((MAX_CHARGE, FEAT), jnp.float32)]
        + [pltpu.VMEM((CHUNK,), jnp.int32) for _ in range(NB)]
        + [pltpu.VMEM((CHUNK,), jnp.int32) for _ in range(NB)]
        + [pltpu.VMEM((CHUNK, FEAT), jnp.float32) for _ in range(NB)]
        + [pltpu.SemaphoreType.DMA for _ in range(4 * NB)]
    ),
)
def _two_level_gather(table_hbm, charges_hbm, cidx_hbm, out_hbm, *refs):
    fc_s = refs[0]
    tab_s = refs[1]
    cidx_v = refs[2:2 + NB]
    chg_v = refs[2 + NB:2 + 2 * NB]
    rows_v = refs[2 + 2 * NB:2 + 3 * NB]
    sems = refs[2 + 3 * NB:]
    sem_i = sems[0:NB]
    sem_c = sems[NB:2 * NB]
    sem_r = sems[2 * NB:3 * NB]
    sem_s = sems[3 * NB:4 * NB]

    wid = lax.axis_index("s") * NC + lax.axis_index("c")
    base = wid * PER_W

    pltpu.async_copy(
        cidx_hbm.at[pl.ds(base, CHUNK)], cidx_v[0], sem_i[0])
    pltpu.async_copy(
        cidx_hbm.at[pl.ds(base + CHUNK, CHUNK)], cidx_v[1], sem_i[1])

    @pl.when(lax.axis_index("s") == 0)
    def _():
        pltpu.sync_copy(charges_hbm, fc_s)

    @pl.when(lax.axis_index("s") == 1)
    def _():
        pltpu.sync_copy(table_hbm, tab_s)
    plsc.subcore_barrier()

    def fire_cidx(c, b):
        pltpu.async_copy(
            cidx_hbm.at[pl.ds(base + c * CHUNK, CHUNK)], cidx_v[b], sem_i[b])

    def wait_cidx(b):
        pltpu.make_async_copy(
            cidx_hbm.at[pl.ds(0, CHUNK)], cidx_v[b], sem_i[b]).wait()

    def fire_chg(b):
        pltpu.async_copy(fc_s.at[cidx_v[b]], chg_v[b], sem_c[b])

    def wait_chg(b):
        pltpu.make_async_copy(fc_s.at[cidx_v[b]], chg_v[b], sem_c[b]).wait()

    def fire_rows(b):
        pltpu.async_copy(tab_s.at[chg_v[b]], rows_v[b], sem_r[b])

    def wait_rows(b):
        pltpu.make_async_copy(tab_s.at[chg_v[b]], rows_v[b], sem_r[b]).wait()

    def fire_store(c, b):
        pltpu.async_copy(
            rows_v[b], out_hbm.at[pl.ds(base + c * CHUNK, CHUNK)], sem_s[b])

    def wait_store(b):
        pltpu.make_async_copy(
            rows_v[b], out_hbm.at[pl.ds(0, CHUNK)], sem_s[b]).wait()

    wait_cidx(0)
    fire_chg(0)

    @pl.loop(0, NRING)
    def _(g):
        for b in range(NB):
            c = g * NB + b

            @pl.when(c < NCHUNK)
            def _():
                @pl.when(c >= NB)
                def _():
                    wait_store(b)
                wait_chg(b)
                fire_rows(b)

                @pl.when(c + 2 < NCHUNK)
                def _():
                    fire_cidx(c + 2, (b + 2) % NB)

                @pl.when(c + 1 < NCHUNK)
                def _():
                    nb_ = (b + 1) % NB
                    wait_cidx(nb_)
                    fire_chg(nb_)

                @pl.when(c >= 1)
                def _():
                    pb = (b - 1) % NB
                    wait_rows(pb)
                    fire_store(c - 1, pb)

    last_b = (NCHUNK - 1) % NB
    wait_rows(last_b)
    fire_store(NCHUNK - 1, last_b)
    for b in range(NB):
        wait_store(b)


def kernel(table, flat_charges, center_idx):
    return _two_level_gather(
        table,
        flat_charges.astype(jnp.int32),
        center_idx.astype(jnp.int32),
    )

# --- scband reference (transcript-rebuilt; emitter-appended) ---
"""Pipeline reference for scband-reparam-module-46746424049778 (READ-ONLY COPY).

The authoritative reference and input builder live on the scoring server;
editing this copy changes nothing except your own understanding.
"""

import jax, jax.numpy as jnp
import numpy as np

N_NUC = 10000
N_CENTER = 320000
MAX_CHARGE = 100
FEAT = 128


def setup_inputs(seed: int = 0) -> dict:
    key = jax.random.key(seed)
    k1, k2, k3 = jax.random.split(key, 3)
    # Learned parameter: nn.Embed(num_embeddings=max_charge, features=n_out) table,
    # init_fn here is a normal initializer (as in the original edge_reparam path).
    table = jax.random.normal(k1, (MAX_CHARGE, FEAT), dtype=jnp.float32) * 0.02
    # systems.flat_charges: one integer charge per nucleus, values in [0, max_charge)
    flat_charges = jax.random.randint(k2, (N_NUC,), 0, MAX_CHARGE, dtype=jnp.int64)
    # center_idx: per-edge-center nucleus indices (gather with repetition)
    center_idx = jax.random.randint(k3, (N_CENTER,), 0, N_NUC, dtype=jnp.int64)
    return {"table": table, "flat_charges": flat_charges, "center_idx": center_idx}


def reference(table, flat_charges, center_idx):
    # edge_reparam path with max_charge >= 0:
    # nn.Embed(num_embeddings=max_charge, features=n_out)(systems.flat_charges)
    #   .reshape(systems.n_nuc, *shape)[center_idx]
    per_nuc = jnp.take(table, flat_charges, axis=0)          # [n_nuc, n_out]
    per_nuc = per_nuc.reshape(flat_charges.shape[0], FEAT)   # reshape(n_nuc, *shape)
    out = jnp.take(per_nuc, center_idx, axis=0)              # [n_center, *shape]
    return out

if __name__ == "__main__":
    import jax
    _d = setup_inputs()
    print(jax.jit(kernel)(*tuple(_d.values())))

</pallas_src>

<mosaic_0001>
#map = affine_map<(d0, d1) -> (0, 0)>
#map1 = affine_map<(d0, d1) -> (0)>
module attributes {stable_mosaic.version = 14 : i64} {
  func.func @_two_level_gather(%arg0: i32, %arg1: i32, %arg2: memref<100x128xf32, #tpu.memory_space<hbm>>, %arg3: memref<10000xi32, #tpu.memory_space<hbm>>, %arg4: memref<320000xi32, #tpu.memory_space<hbm>>, %arg5: memref<320000x128xf32, #tpu.memory_space<hbm>>, %arg6: memref<10000xi32, #tpu.memory_space<vmem_shared>>, %arg7: memref<100x128xf32, #tpu.memory_space<vmem_shared>>, %arg8: memref<200xi32, #tpu.memory_space<vmem>>, %arg9: memref<200xi32, #tpu.memory_space<vmem>>, %arg10: memref<200xi32, #tpu.memory_space<vmem>>, %arg11: memref<200xi32, #tpu.memory_space<vmem>>, %arg12: memref<200xi32, #tpu.memory_space<vmem>>, %arg13: memref<200xi32, #tpu.memory_space<vmem>>, %arg14: memref<200xi32, #tpu.memory_space<vmem>>, %arg15: memref<200xi32, #tpu.memory_space<vmem>>, %arg16: memref<200x128xf32, #tpu.memory_space<vmem>>, %arg17: memref<200x128xf32, #tpu.memory_space<vmem>>, %arg18: memref<200x128xf32, #tpu.memory_space<vmem>>, %arg19: memref<200x128xf32, #tpu.memory_space<vmem>>, %arg20: memref<!tpu.dma_semaphore, #tpu.memory_space<semaphore_mem>>, %arg21: memref<!tpu.dma_semaphore, #tpu.memory_space<semaphore_mem>>, %arg22: memref<!tpu.dma_semaphore, #tpu.memory_space<semaphore_mem>>, %arg23: memref<!tpu.dma_semaphore, #tpu.memory_space<semaphore_mem>>, %arg24: memref<!tpu.dma_semaphore, #tpu.memory_space<semaphore_mem>>, %arg25: memref<!tpu.dma_semaphore, #tpu.memory_space<semaphore_mem>>, %arg26: memref<!tpu.dma_semaphore, #tpu.memory_space<semaphore_mem>>, %arg27: memref<!tpu.dma_semaphore, #tpu.memory_space<semaphore_mem>>, %arg28: memref<!tpu.dma_semaphore, #tpu.memory_space<semaphore_mem>>, %arg29: memref<!tpu.dma_semaphore, #tpu.memory_space<semaphore_mem>>, %arg30: memref<!tpu.dma_semaphore, #tpu.memory_space<semaphore_mem>>, %arg31: memref<!tpu.dma_semaphore, #tpu.memory_space<semaphore_mem>>, %arg32: memref<!tpu.dma_semaphore, #tpu.memory_space<semaphore_mem>>, %arg33: memref<!tpu.dma_semaphore, #tpu.memory_space<semaphore_mem>>, %arg34: memref<!tpu.dma_semaphore, #tpu.memory_space<semaphore_mem>>, %arg35: memref<!tpu.dma_semaphore, #tpu.memory_space<semaphore_mem>>) attributes {dimension_semantics = [#tpu.dimension_semantics<core_parallel>, #tpu.dimension_semantics<subcore_parallel>], iteration_bounds = array<i64: 2, 16>, scalar_prefetch = 0 : i64, scratch_operands = 30 : i64, tpu.core_type = #tpu.core_type<sc_vector_subcore>, window_params = [{transform_indices = #map}, {transform_indices = #map1}, {transform_indices = #map1}, {transform_indices = #map}]} {
    %mul3A = arith.constant 2 : i32
    %mul3A_0 = arith.muli %arg1, %mul3A : i32
    %add3A = arith.addi %mul3A_0, %arg0 : i32
    %mul3A_1 = arith.constant 10000 : i32
    %mul3A_2 = arith.muli %add3A, %mul3A_1 : i32
    %dma_start3A = tpu.memref_slice %arg4[%mul3A_2] : memref<320000xi32, #tpu.memory_space<hbm>> -> memref<200xi32, #tpu.memory_space<hbm>>
    %dma_start3A_3 = tpu.memref_slice %arg4[%mul3A_2] : memref<320000xi32, #tpu.memory_space<hbm>> -> memref<200xi32, #tpu.memory_space<hbm>>
    tpu.enqueue_dma source(%dma_start3A_3 : memref<200xi32, #tpu.memory_space<hbm>>) target(%arg8 : memref<200xi32, #tpu.memory_space<vmem>>) target_semaphore(%arg20 : memref<!tpu.dma_semaphore, #tpu.memory_space<semaphore_mem>>)
    %add3A_4 = arith.constant 200 : i32
    %add3A_5 = arith.addi %mul3A_2, %add3A_4 : i32
    %dma_start3A_6 = tpu.memref_slice %arg4[%add3A_5] : memref<320000xi32, #tpu.memory_space<hbm>> -> memref<200xi32, #tpu.memory_space<hbm>>
    %dma_start3A_7 = tpu.memref_slice %arg4[%add3A_5] : memref<320000xi32, #tpu.memory_space<hbm>> -> memref<200xi32, #tpu.memory_space<hbm>>
    tpu.enqueue_dma source(%dma_start3A_7 : memref<200xi32, #tpu.memory_space<hbm>>) target(%arg9 : memref<200xi32, #tpu.memory_space<vmem>>) target_semaphore(%arg21 : memref<!tpu.dma_semaphore, #tpu.memory_space<semaphore_mem>>)
    %eq3A = arith.constant 0 : i32
    %eq3A_8 = arith.cmpi eq, %arg1, %eq3A : i32
    %convert_element_type3A = arith.extui %eq3A_8 : i1 to i32
    %cond3A = arith.constant 0 : i32
    %cond3A_9 = arith.cmpi ne, %convert_element_type3A, %cond3A : i32
    scf.if %cond3A_9 {
      "tpu.region"() ({
        %run_scoped3A = tpu.sem_alloc : memref<!tpu.dma_semaphore, #tpu.memory_space<semaphore_mem>>
        tpu.enqueue_dma source(%arg3 : memref<10000xi32, #tpu.memory_space<hbm>>) target(%arg6 : memref<10000xi32, #tpu.memory_space<vmem_shared>>) target_semaphore(%run_scoped3A : memref<!tpu.dma_semaphore, #tpu.memory_space<semaphore_mem>>)
        tpu.wait_dma2 semaphore(%run_scoped3A : memref<!tpu.dma_semaphore, #tpu.memory_space<semaphore_mem>>) src(%arg3 : memref<10000xi32, #tpu.memory_space<hbm>>) dst(%arg6 : memref<10000xi32, #tpu.memory_space<vmem_shared>>)
        tpu.yield
      }) : () -> ()
    } else {
    }
    %eq3A_10 = arith.constant 1 : i32
    %eq3A_11 = arith.cmpi eq, %arg1, %eq3A_10 : i32
    %convert_element_type3A_12 = arith.extui %eq3A_11 : i1 to i32
    %cond3A_13 = arith.constant 0 : i32
    %cond3A_14 = arith.cmpi ne, %convert_element_type3A_12, %cond3A_13 : i32
    scf.if %cond3A_14 {
      "tpu.region"() ({
        %run_scoped3A = tpu.sem_alloc : memref<!tpu.dma_semaphore, #tpu.memory_space<semaphore_mem>>
        tpu.enqueue_dma source(%arg2 : memref<100x128xf32, #tpu.memory_space<hbm>>) target(%arg7 : memref<100x128xf32, #tpu.memory_space<vmem_shared>>) target_semaphore(%run_scoped3A : memref<!tpu.dma_semaphore, #tpu.memory_space<semaphore_mem>>)
        tpu.wait_dma2 semaphore(%run_scoped3A : memref<!tpu.dma_semaphore, #tpu.memory_space<semaphore_mem>>) src(%arg2 : memref<100x128xf32, #tpu.memory_space<hbm>>) dst(%arg7 : memref<100x128xf32, #tpu.memory_space<vmem_shared>>)
        tpu.yield
      }) : () -> ()
    } else {
    }
    %barrier3A = arith.constant 0 : index
    tpu.barrier barrier_id(%barrier3A)
    %dma_wait3A = arith.constant 0 : i32
    %dma_wait3A_15 = tpu.memref_slice %arg4[%dma_wait3A] : memref<320000xi32, #tpu.memory_space<hbm>> -> memref<200xi32, #tpu.memory_space<hbm>>
    %dma_wait3A_16 = arith.constant 0 : i32
    %dma_wait3A_17 = tpu.memref_slice %arg4[%dma_wait3A_16] : memref<320000xi32, #tpu.memory_space<hbm>> -> memref<200xi32, #tpu.memory_space<hbm>>
    tpu.wait_dma2 semaphore(%arg20 : memref<!tpu.dma_semaphore, #tpu.memory_space<semaphore_mem>>) src(%dma_wait3A_17 : memref<200xi32, #tpu.memory_space<hbm>>) dst(%arg8 : memref<200xi32, #tpu.memory_space<vmem>>)
    %dma_start3A_18 = arith.constant 0 : i32
    %dma_start3A_19 = tpu.memref_slice %arg6[%dma_start3A_18] : memref<10000xi32, #tpu.memory_space<vmem_shared>> -> memref<10000xi32, #tpu.memory_space<vmem_shared>>
    tpu.enqueue_indirect_dma source(%dma_start3A_19 : memref<10000xi32, #tpu.memory_space<vmem_shared>>) target(%arg12 : memref<200xi32, #tpu.memory_space<vmem>>) offsets(%arg8 : memref<200xi32, #tpu.memory_space<vmem>>) semaphore(%arg24 : memref<!tpu.dma_semaphore, #tpu.memory_space<semaphore_mem>>)
    %scan3A = arith.constant 0 : i32
    %scan3A_20 = arith.constant 13 : i32
    %scan3A_21 = arith.addi %scan3A, %scan3A_20 : i32
    %scan3A_22 = arith.constant 1 : i32
    scf.for %scan3A_57 = %scan3A to %scan3A_21 step %scan3A_22  : i32 {
      %mul3A_58 = arith.constant 1 : i32
      %mul3A_59 = arith.muli %scan3A_57, %mul3A_58 : i32
      %add3A_60 = arith.constant 0 : i32
      %add3A_61 = arith.addi %add3A_60, %mul3A_59 : i32
      %mul3A_62 = arith.constant 4 : i32
      %mul3A_63 = arith.muli %add3A_61, %mul3A_62 : i32
      %add3A_64 = arith.constant 0 : i32
      %add3A_65 = arith.addi %mul3A_63, %add3A_64 : i32
      %lt3A = arith.constant 50 : i32
      %lt3A_66 = arith.cmpi slt, %add3A_65, %lt3A : i32
      %convert_element_type3A_67 = arith.extui %lt3A_66 : i1 to i32
      %cond3A_68 = arith.constant 0 : i32
      %cond3A_69 = arith.cmpi ne, %convert_element_type3A_67, %cond3A_68 : i32
      scf.if %cond3A_69 {
        %ge3A = arith.constant 4 : i32
        %ge3A_97 = arith.cmpi sge, %add3A_65, %ge3A : i32
        %convert_element_type3A_98 = arith.extui %ge3A_97 : i1 to i32
        %cond3A_99 = arith.constant 0 : i32
        %cond3A_100 = arith.cmpi ne, %convert_element_type3A_98, %cond3A_99 : i32
        scf.if %cond3A_100 {
          %dma_wait3A_125 = arith.constant 0 : i32
          %dma_wait3A_126 = arith.constant 0 : i32
          %dma_wait3A_127 = tpu.memref_slice %arg5[%dma_wait3A_125, %dma_wait3A_126] : memref<320000x128xf32, #tpu.memory_space<hbm>> -> memref<200x128xf32, #tpu.memory_space<hbm>>
          %dma_wait3A_128 = arith.constant 0 : i32
          %dma_wait3A_129 = arith.constant 0 : i32
          %dma_wait3A_130 = tpu.memref_slice %arg5[%dma_wait3A_128, %dma_wait3A_129] : memref<320000x128xf32, #tpu.memory_space<hbm>> -> memref<200x128xf32, #tpu.memory_space<hbm>>
          tpu.wait_dma2 semaphore(%arg32 : memref<!tpu.dma_semaphore, #tpu.memory_space<semaphore_mem>>) src(%arg16 : memref<200x128xf32, #tpu.memory_space<vmem>>) dst(%dma_wait3A_130 : memref<200x128xf32, #tpu.memory_space<hbm>>)
        } else {
        }
        %dma_wait3A_101 = arith.constant 0 : i32
        %dma_wait3A_102 = tpu.memref_slice %arg6[%dma_wait3A_101] : memref<10000xi32, #tpu.memory_space<vmem_shared>> -> memref<10000xi32, #tpu.memory_space<vmem_shared>>
        tpu.wait_indirect_dma semaphore(%arg24 : memref<!tpu.dma_semaphore, #tpu.memory_space<semaphore_mem>>) src(%dma_wait3A_102 : memref<10000xi32, #tpu.memory_space<vmem_shared>>) dst(%arg12 : memref<200xi32, #tpu.memory_space<vmem>>)
        %dma_start3A_103 = arith.constant 0 : i32
        %dma_start3A_104 = arith.constant 0 : i32
        %dma_start3A_105 = tpu.memref_slice %arg7[%dma_start3A_103, %dma_start3A_104] : memref<100x128xf32, #tpu.memory_space<vmem_shared>> -> memref<100x128xf32, #tpu.memory_space<vmem_shared>>
        tpu.enqueue_indirect_dma source(%dma_start3A_105 : memref<100x128xf32, #tpu.memory_space<vmem_shared>>) target(%arg16 : memref<200x128xf32, #tpu.memory_space<vmem>>) offsets(%arg12 : memref<200xi32, #tpu.memory_space<vmem>>) semaphore(%arg28 : memref<!tpu.dma_semaphore, #tpu.memory_space<semaphore_mem>>)
        %add3A_106 = arith.constant 2 : i32
        %add3A_107 = arith.addi %add3A_65, %add3A_106 : i32
        %lt3A_108 = arith.constant 50 : i32
        %lt3A_109 = arith.cmpi slt, %add3A_107, %lt3A_108 : i32
        %convert_element_type3A_110 = arith.extui %lt3A_109 : i1 to i32
        %cond3A_111 = arith.constant 0 : i32
        %cond3A_112 = arith.cmpi ne, %convert_element_type3A_110, %cond3A_111 : i32
        scf.if %cond3A_112 {
          %add3A_125 = arith.constant 2 : i32
          %add3A_126 = arith.addi %add3A_65, %add3A_125 : i32
          %mul3A_127 = arith.constant 200 : i32
          %mul3A_128 = arith.muli %add3A_126, %mul3A_127 : i32
          %add3A_129 = arith.addi %mul3A_2, %mul3A_128 : i32
          %dma_start3A_130 = tpu.memref_slice %arg4[%add3A_129] : memref<320000xi32, #tpu.memory_space<hbm>> -> memref<200xi32, #tpu.memory_space<hbm>>
          %dma_start3A_131 = tpu.memref_slice %arg4[%add3A_129] : memref<320000xi32, #tpu.memory_space<hbm>> -> memref<200xi32, #tpu.memory_space<hbm>>
          tpu.enqueue_dma source(%dma_start3A_131 : memref<200xi32, #tpu.memory_space<hbm>>) target(%arg10 : memref<200xi32, #tpu.memory_space<vmem>>) target_semaphore(%arg22 : memref<!tpu.dma_semaphore, #tpu.memory_space<semaphore_mem>>)
        } else {
        }
        %add3A_113 = arith.constant 1 : i32
        %add3A_114 = arith.addi %add3A_65, %add3A_113 : i32
        %lt3A_115 = arith.constant 50 : i32
        %lt3A_116 = arith.cmpi slt, %add3A_114, %lt3A_115 : i32
        %convert_element_type3A_117 = arith.extui %lt3A_116 : i1 to i32
        %cond3A_118 = arith.constant 0 : i32
        %cond3A_119 = arith.cmpi ne, %convert_element_type3A_117, %cond3A_118 : i32
        scf.if %cond3A_119 {
          %dma_wait3A_125 = arith.constant 0 : i32
          %dma_wait3A_126 = tpu.memref_slice %arg4[%dma_wait3A_125] : memref<320000xi32, #tpu.memory_space<hbm>> -> memref<200xi32, #tpu.memory_space<hbm>>
          %dma_wait3A_127 = arith.constant 0 : i32
          %dma_wait3A_128 = tpu.memref_slice %arg4[%dma_wait3A_127] : memref<320000xi32, #tpu.memory_space<hbm>> -> memref<200xi32, #tpu.memory_space<hbm>>
          tpu.wait_dma2 semaphore(%arg21 : memref<!tpu.dma_semaphore, #tpu.memory_space<semaphore_mem>>) src(%dma_wait3A_128 : memref<200xi32, #tpu.memory_space<hbm>>) dst(%arg9 : memref<200xi32, #tpu.memory_space<vmem>>)
          %dma_start3A_129 = arith.constant 0 : i32
          %dma_start3A_130 = tpu.memref_slice %arg6[%dma_start3A_129] : memref<10000xi32, #tpu.memory_space<vmem_shared>> -> memref<10000xi32, #tpu.memory_space<vmem_shared>>
          tpu.enqueue_indirect_dma source(%dma_start3A_130 : memref<10000xi32, #tpu.memory_space<vmem_shared>>) target(%arg13 : memref<200xi32, #tpu.memory_space<vmem>>) offsets(%arg9 : memref<200xi32, #tpu.memory_space<vmem>>) semaphore(%arg25 : memref<!tpu.dma_semaphore, #tpu.memory_space<semaphore_mem>>)
        } else {
        }
        %ge3A_120 = arith.constant 1 : i32
        %ge3A_121 = arith.cmpi sge, %add3A_65, %ge3A_120 : i32
        %convert_element_type3A_122 = arith.extui %ge3A_121 : i1 to i32
        %cond3A_123 = arith.constant 0 : i32
        %cond3A_124 = arith.cmpi ne, %convert_element_type3A_122, %cond3A_123 : i32
        scf.if %cond3A_124 {
          %dma_wait3A_125 = arith.constant 0 : i32
          %dma_wait3A_126 = arith.constant 0 : i32
          %dma_wait3A_127 = tpu.memref_slice %arg7[%dma_wait3A_125, %dma_wait3A_126] : memref<100x128xf32, #tpu.memory_space<vmem_shared>> -> memref<100x128xf32, #tpu.memory_space<vmem_shared>>
          tpu.wait_indirect_dma semaphore(%arg31 : memref<!tpu.dma_semaphore, #tpu.memory_space<semaphore_mem>>) src(%dma_wait3A_127 : memref<100x128xf32, #tpu.memory_space<vmem_shared>>) dst(%arg19 : memref<200x128xf32, #tpu.memory_space<vmem>>)
          %sub3A = arith.constant 1 : i32
          %sub3A_128 = arith.subi %add3A_65, %sub3A : i32
          %mul3A_129 = arith.constant 200 : i32
          %mul3A_130 = arith.muli %sub3A_128, %mul3A_129 : i32
          %add3A_131 = arith.addi %mul3A_2, %mul3A_130 : i32
          %dma_start3A_132 = arith.constant 0 : i32
          %dma_start3A_133 = tpu.memref_slice %arg5[%add3A_131, %dma_start3A_132] : memref<320000x128xf32, #tpu.memory_space<hbm>> -> memref<200x128xf32, #tpu.memory_space<hbm>>
          %dma_start3A_134 = arith.constant 0 : i32
          %dma_start3A_135 = tpu.memref_slice %arg5[%add3A_131, %dma_start3A_134] : memref<320000x128xf32, #tpu.memory_space<hbm>> -> memref<200x128xf32, #tpu.memory_space<hbm>>
          tpu.enqueue_dma source(%arg19 : memref<200x128xf32, #tpu.memory_space<vmem>>) target(%dma_start3A_135 : memref<200x128xf32, #tpu.memory_space<hbm>>) target_semaphore(%arg35 : memref<!tpu.dma_semaphore, #tpu.memory_space<semaphore_mem>>)
        } else {
        }
      } else {
      }
      %mul3A_70 = arith.constant 4 : i32
      %mul3A_71 = arith.muli %add3A_61, %mul3A_70 : i32
      %add3A_72 = arith.constant 1 : i32
      %add3A_73 = arith.addi %mul3A_71, %add3A_72 : i32
      %lt3A_74 = arith.constant 50 : i32
      %lt3A_75 = arith.cmpi slt, %add3A_73, %lt3A_74 : i32
      %convert_element_type3A_76 = arith.extui %lt3A_75 : i1 to i32
      %cond3A_77 = arith.constant 0 : i32
      %cond3A_78 = arith.cmpi ne, %convert_element_type3A_76, %cond3A_77 : i32
      scf.if %cond3A_78 {
        %ge3A = arith.constant 4 : i32
        %ge3A_97 = arith.cmpi sge, %add3A_73, %ge3A : i32
        %convert_element_type3A_98 = arith.extui %ge3A_97 : i1 to i32
        %cond3A_99 = arith.constant 0 : i32
        %cond3A_100 = arith.cmpi ne, %convert_element_type3A_98, %cond3A_99 : i32
        scf.if %cond3A_100 {
          %dma_wait3A_125 = arith.constant 0 : i32
          %dma_wait3A_126 = arith.constant 0 : i32
          %dma_wait3A_127 = tpu.memref_slice %arg5[%dma_wait3A_125, %dma_wait3A_126] : memref<320000x128xf32, #tpu.memory_space<hbm>> -> memref<200x128xf32, #tpu.memory_space<hbm>>
          %dma_wait3A_128 = arith.constant 0 : i32
          %dma_wait3A_129 = arith.constant 0 : i32
          %dma_wait3A_130 = tpu.memref_slice %arg5[%dma_wait3A_128, %dma_wait3A_129] : memref<320000x128xf32, #tpu.memory_space<hbm>> -> memref<200x128xf32, #tpu.memory_space<hbm>>
          tpu.wait_dma2 semaphore(%arg33 : memref<!tpu.dma_semaphore, #tpu.memory_space<semaphore_mem>>) src(%arg17 : memref<200x128xf32, #tpu.memory_space<vmem>>) dst(%dma_wait3A_130 : memref<200x128xf32, #tpu.memory_space<hbm>>)
        } else {
        }
        %dma_wait3A_101 = arith.constant 0 : i32
        %dma_wait3A_102 = tpu.memref_slice %arg6[%dma_wait3A_101] : memref<10000xi32, #tpu.memory_space<vmem_shared>> -> memref<10000xi32, #tpu.memory_space<vmem_shared>>
        tpu.wait_indirect_dma semaphore(%arg25 : memref<!tpu.dma_semaphore, #tpu.memory_space<semaphore_mem>>) src(%dma_wait3A_102 : memref<10000xi32, #tpu.memory_space<vmem_shared>>) dst(%arg13 : memref<200xi32, #tpu.memory_space<vmem>>)
        %dma_start3A_103 = arith.constant 0 : i32
        %dma_start3A_104 = arith.constant 0 : i32
        %dma_start3A_105 = tpu.memref_slice %arg7[%dma_start3A_103, %dma_start3A_104] : memref<100x128xf32, #tpu.memory_space<vmem_shared>> -> memref<100x128xf32, #tpu.memory_space<vmem_shared>>
        tpu.enqueue_indirect_dma source(%dma_start3A_105 : memref<100x128xf32, #tpu.memory_space<vmem_shared>>) target(%arg17 : memref<200x128xf32, #tpu.memory_space<vmem>>) offsets(%arg13 : memref<200xi32, #tpu.memory_space<vmem>>) semaphore(%arg29 : memref<!tpu.dma_semaphore, #tpu.memory_space<semaphore_mem>>)
        %add3A_106 = arith.constant 2 : i32
        %add3A_107 = arith.addi %add3A_73, %add3A_106 : i32
        %lt3A_108 = arith.constant 50 : i32
        %lt3A_109 = arith.cmpi slt, %add3A_107, %lt3A_108 : i32
        %convert_element_type3A_110 = arith.extui %lt3A_109 : i1 to i32
        %cond3A_111 = arith.constant 0 : i32
        %cond3A_112 = arith.cmpi ne, %convert_element_type3A_110, %cond3A_111 : i32
        scf.if %cond3A_112 {
          %add3A_125 = arith.constant 2 : i32
          %add3A_126 = arith.addi %add3A_73, %add3A_125 : i32
          %mul3A_127 = arith.constant 200 : i32
          %mul3A_128 = arith.muli %add3A_126, %mul3A_127 : i32
          %add3A_129 = arith.addi %mul3A_2, %mul3A_128 : i32
          %dma_start3A_130 = tpu.memref_slice %arg4[%add3A_129] : memref<320000xi32, #tpu.memory_space<hbm>> -> memref<200xi32, #tpu.memory_space<hbm>>
          %dma_start3A_131 = tpu.memref_slice %arg4[%add3A_129] : memref<320000xi32, #tpu.memory_space<hbm>> -> memref<200xi32, #tpu.memory_space<hbm>>
          tpu.enqueue_dma source(%dma_start3A_131 : memref<200xi32, #tpu.memory_space<hbm>>) target(%arg11 : memref<200xi32, #tpu.memory_space<vmem>>) target_semaphore(%arg23 : memref<!tpu.dma_semaphore, #tpu.memory_space<semaphore_mem>>)
        } else {
        }
        %add3A_113 = arith.constant 1 : i32
        %add3A_114 = arith.addi %add3A_73, %add3A_113 : i32
        %lt3A_115 = arith.constant 50 : i32
        %lt3A_116 = arith.cmpi slt, %add3A_114, %lt3A_115 : i32
        %convert_element_type3A_117 = arith.extui %lt3A_116 : i1 to i32
        %cond3A_118 = arith.constant 0 : i32
        %cond3A_119 = arith.cmpi ne, %convert_element_type3A_117, %cond3A_118 : i32
        scf.if %cond3A_119 {
          %dma_wait3A_125 = arith.constant 0 : i32
          %dma_wait3A_126 = tpu.memref_slice %arg4[%dma_wait3A_125] : memref<320000xi32, #tpu.memory_space<hbm>> -> memref<200xi32, #tpu.memory_space<hbm>>
          %dma_wait3A_127 = arith.constant 0 : i32
          %dma_wait3A_128 = tpu.memref_slice %arg4[%dma_wait3A_127] : memref<320000xi32, #tpu.memory_space<hbm>> -> memref<200xi32, #tpu.memory_space<hbm>>
          tpu.wait_dma2 semaphore(%arg22 : memref<!tpu.dma_semaphore, #tpu.memory_space<semaphore_mem>>) src(%dma_wait3A_128 : memref<200xi32, #tpu.memory_space<hbm>>) dst(%arg10 : memref<200xi32, #tpu.memory_space<vmem>>)
          %dma_start3A_129 = arith.constant 0 : i32
          %dma_start3A_130 = tpu.memref_slice %arg6[%dma_start3A_129] : memref<10000xi32, #tpu.memory_space<vmem_shared>> -> memref<10000xi32, #tpu.memory_space<vmem_shared>>
          tpu.enqueue_indirect_dma source(%dma_start3A_130 : memref<10000xi32, #tpu.memory_space<vmem_shared>>) target(%arg14 : memref<200xi32, #tpu.memory_space<vmem>>) offsets(%arg10 : memref<200xi32, #tpu.memory_space<vmem>>) semaphore(%arg26 : memref<!tpu.dma_semaphore, #tpu.memory_space<semaphore_mem>>)
        } else {
        }
        %ge3A_120 = arith.constant 1 : i32
        %ge3A_121 = arith.cmpi sge, %add3A_73, %ge3A_120 : i32
        %convert_element_type3A_122 = arith.extui %ge3A_121 : i1 to i32
        %cond3A_123 = arith.constant 0 : i32
        %cond3A_124 = arith.cmpi ne, %convert_element_type3A_122, %cond3A_123 : i32
        scf.if %cond3A_124 {
          %dma_wait3A_125 = arith.constant 0 : i32
          %dma_wait3A_126 = arith.constant 0 : i32
          %dma_wait3A_127 = tpu.memref_slice %arg7[%dma_wait3A_125, %dma_wait3A_126] : memref<100x128xf32, #tpu.memory_space<vmem_shared>> -> memref<100x128xf32, #tpu.memory_space<vmem_shared>>
          tpu.wait_indirect_dma semaphore(%arg28 : memref<!tpu.dma_semaphore, #tpu.memory_space<semaphore_mem>>) src(%dma_wait3A_127 : memref<100x128xf32, #tpu.memory_space<vmem_shared>>) dst(%arg16 : memref<200x128xf32, #tpu.memory_space<vmem>>)
          %sub3A = arith.constant 1 : i32
          %sub3A_128 = arith.subi %add3A_73, %sub3A : i32
          %mul3A_129 = arith.constant 200 : i32
          %mul3A_130 = arith.muli %sub3A_128, %mul3A_129 : i32
          %add3A_131 = arith.addi %mul3A_2, %mul3A_130 : i32
          %dma_start3A_132 = arith.constant 0 : i32
          %dma_start3A_133 = tpu.memref_slice %arg5[%add3A_131, %dma_start3A_132] : memref<320000x128xf32, #tpu.memory_space<hbm>> -> memref<200x128xf32, #tpu.memory_space<hbm>>
          %dma_start3A_134 = arith.constant 0 : i32
          %dma_start3A_135 = tpu.memref_slice %arg5[%add3A_131, %dma_start3A_134] : memref<320000x128xf32, #tpu.memory_space<hbm>> -> memref<200x128xf32, #tpu.memory_space<hbm>>
          tpu.enqueue_dma source(%arg16 : memref<200x128xf32, #tpu.memory_space<vmem>>) target(%dma_start3A_135 : memref<200x128xf32, #tpu.memory_space<hbm>>) target_semaphore(%arg32 : memref<!tpu.dma_semaphore, #tpu.memory_space<semaphore_mem>>)
        } else {
        }
      } else {
      }
      %mul3A_79 = arith.constant 4 : i32
      %mul3A_80 = arith.muli %add3A_61, %mul3A_79 : i32
      %add3A_81 = arith.constant 2 : i32
      %add3A_82 = arith.addi %mul3A_80, %add3A_81 : i32
      %lt3A_83 = arith.constant 50 : i32
      %lt3A_84 = arith.cmpi slt, %add3A_82, %lt3A_83 : i32
      %convert_element_type3A_85 = arith.extui %lt3A_84 : i1 to i32
      %cond3A_86 = arith.constant 0 : i32
      %cond3A_87 = arith.cmpi ne, %convert_element_type3A_85, %cond3A_86 : i32
      scf.if %cond3A_87 {
        %ge3A = arith.constant 4 : i32
        %ge3A_97 = arith.cmpi sge, %add3A_82, %ge3A : i32
        %convert_element_type3A_98 = arith.extui %ge3A_97 : i1 to i32
        %cond3A_99 = arith.constant 0 : i32
        %cond3A_100 = arith.cmpi ne, %convert_element_type3A_98, %cond3A_99 : i32
        scf.if %cond3A_100 {
          %dma_wait3A_125 = arith.constant 0 : i32
          %dma_wait3A_126 = arith.constant 0 : i32
          %dma_wait3A_127 = tpu.memref_slice %arg5[%dma_wait3A_125, %dma_wait3A_126] : memref<320000x128xf32, #tpu.memory_space<hbm>> -> memref<200x128xf32, #tpu.memory_space<hbm>>
          %dma_wait3A_128 = arith.constant 0 : i32
          %dma_wait3A_129 = arith.constant 0 : i32
          %dma_wait3A_130 = tpu.memref_slice %arg5[%dma_wait3A_128, %dma_wait3A_129] : memref<320000x128xf32, #tpu.memory_space<hbm>> -> memref<200x128xf32, #tpu.memory_space<hbm>>
          tpu.wait_dma2 semaphore(%arg34 : memref<!tpu.dma_semaphore, #tpu.memory_space<semaphore_mem>>) src(%arg18 : memref<200x128xf32, #tpu.memory_space<vmem>>) dst(%dma_wait3A_130 : memref<200x128xf32, #tpu.memory_space<hbm>>)
        } else {
        }
        %dma_wait3A_101 = arith.constant 0 : i32
        %dma_wait3A_102 = tpu.memref_slice %arg6[%dma_wait3A_101] : memref<10000xi32, #tpu.memory_space<vmem_shared>> -> memref<10000xi32, #tpu.memory_space<vmem_shared>>
        tpu.wait_indirect_dma semaphore(%arg26 : memref<!tpu.dma_semaphore, #tpu.memory_space<semaphore_mem>>) src(%dma_wait3A_102 : memref<10000xi32, #tpu.memory_space<vmem_shared>>) dst(%arg14 : memref<200xi32, #tpu.memory_space<vmem>>)
        %dma_start3A_103 = arith.constant 0 : i32
        %dma_start3A_104 = arith.constant 0 : i32
        %dma_start3A_105 = tpu.memref_slice %arg7[%dma_start3A_103, %dma_start3A_104] : memref<100x128xf32, #tpu.memory_space<vmem_shared>> -> memref<100x128xf32, #tpu.memory_space<vmem_shared>>
        tpu.enqueue_indirect_dma source(%dma_start3A_105 : memref<100x128xf32, #tpu.memory_space<vmem_shared>>) target(%arg18 : memref<200x128xf32, #tpu.memory_space<vmem>>) offsets(%arg14 : memref<200xi32, #tpu.memory_space<vmem>>) semaphore(%arg30 : memref<!tpu.dma_semaphore, #tpu.memory_space<semaphore_mem>>)
        %add3A_106 = arith.constant 2 : i32
        %add3A_107 = arith.addi %add3A_82, %add3A_106 : i32
        %lt3A_108 = arith.constant 50 : i32
        %lt3A_109 = arith.cmpi slt, %add3A_107, %lt3A_108 : i32
        %convert_element_type3A_110 = arith.extui %lt3A_109 : i1 to i32
        %cond3A_111 = arith.constant 0 : i32
        %cond3A_112 = arith.cmpi ne, %convert_element_type3A_110, %cond3A_111 : i32
        scf.if %cond3A_112 {
          %add3A_125 = arith.constant 2 : i32
          %add3A_126 = arith.addi %add3A_82, %add3A_125 : i32
          %mul3A_127 = arith.constant 200 : i32
          %mul3A_128 = arith.muli %add3A_126, %mul3A_127 : i32
          %add3A_129 = arith.addi %mul3A_2, %mul3A_128 : i32
          %dma_start3A_130 = tpu.memref_slice %arg4[%add3A_129] : memref<320000xi32, #tpu.memory_space<hbm>> -> memref<200xi32, #tpu.memory_space<hbm>>
          %dma_start3A_131 = tpu.memref_slice %arg4[%add3A_129] : memref<320000xi32, #tpu.memory_space<hbm>> -> memref<200xi32, #tpu.memory_space<hbm>>
          tpu.enqueue_dma source(%dma_start3A_131 : memref<200xi32, #tpu.memory_space<hbm>>) target(%arg8 : memref<200xi32, #tpu.memory_space<vmem>>) target_semaphore(%arg20 : memref<!tpu.dma_semaphore, #tpu.memory_space<semaphore_mem>>)
        } else {
        }
        %add3A_113 = arith.constant 1 : i32
        %add3A_114 = arith.addi %add3A_82, %add3A_113 : i32
        %lt3A_115 = arith.constant 50 : i32
        %lt3A_116 = arith.cmpi slt, %add3A_114, %lt3A_115 : i32
        %convert_element_type3A_117 = arith.extui %lt3A_116 : i1 to i32
        %cond3A_118 = arith.constant 0 : i32
        %cond3A_119 = arith.cmpi ne, %convert_element_type3A_117, %cond3A_118 : i32
        scf.if %cond3A_119 {
          %dma_wait3A_125 = arith.constant 0 : i32
          %dma_wait3A_126 = tpu.memref_slice %arg4[%dma_wait3A_125] : memref<320000xi32, #tpu.memory_space<hbm>> -> memref<200xi32, #tpu.memory_space<hbm>>
          %dma_wait3A_127 = arith.constant 0 : i32
          %dma_wait3A_128 = tpu.memref_slice %arg4[%dma_wait3A_127] : memref<320000xi32, #tpu.memory_space<hbm>> -> memref<200xi32, #tpu.memory_space<hbm>>
          tpu.wait_dma2 semaphore(%arg23 : memref<!tpu.dma_semaphore, #tpu.memory_space<semaphore_mem>>) src(%dma_wait3A_128 : memref<200xi32, #tpu.memory_space<hbm>>) dst(%arg11 : memref<200xi32, #tpu.memory_space<vmem>>)
          %dma_start3A_129 = arith.constant 0 : i32
          %dma_start3A_130 = tpu.memref_slice %arg6[%dma_start3A_129] : memref<10000xi32, #tpu.memory_space<vmem_shared>> -> memref<10000xi32, #tpu.memory_space<vmem_shared>>
          tpu.enqueue_indirect_dma source(%dma_start3A_130 : memref<10000xi32, #tpu.memory_space<vmem_shared>>) target(%arg15 : memref<200xi32, #tpu.memory_space<vmem>>) offsets(%arg11 : memref<200xi32, #tpu.memory_space<vmem>>) semaphore(%arg27 : memref<!tpu.dma_semaphore, #tpu.memory_space<semaphore_mem>>)
        } else {
        }
        %ge3A_120 = arith.constant 1 : i32
        %ge3A_121 = arith.cmpi sge, %add3A_82, %ge3A_120 : i32
        %convert_element_type3A_122 = arith.extui %ge3A_121 : i1 to i32
        %cond3A_123 = arith.constant 0 : i32
        %cond3A_124 = arith.cmpi ne, %convert_element_type3A_122, %cond3A_123 : i32
        scf.if %cond3A_124 {
          %dma_wait3A_125 = arith.constant 0 : i32
          %dma_wait3A_126 = arith.constant 0 : i32
          %dma_wait3A_127 = tpu.memref_slice %arg7[%dma_wait3A_125, %dma_wait3A_126] : memref<100x128xf32, #tpu.memory_space<vmem_shared>> -> memref<100x128xf32, #tpu.memory_space<vmem_shared>>
          tpu.wait_indirect_dma semaphore(%arg29 : memref<!tpu.dma_semaphore, #tpu.memory_space<semaphore_mem>>) src(%dma_wait3A_127 : memref<100x128xf32, #tpu.memory_space<vmem_shared>>) dst(%arg17 : memref<200x128xf32, #tpu.memory_space<vmem>>)
          %sub3A = arith.constant 1 : i32
          %sub3A_128 = arith.subi %add3A_82, %sub3A : i32
          %mul3A_129 = arith.constant 200 : i32
          %mul3A_130 = arith.muli %sub3A_128, %mul3A_129 : i32
          %add3A_131 = arith.addi %mul3A_2, %mul3A_130 : i32
          %dma_start3A_132 = arith.constant 0 : i32
          %dma_start3A_133 = tpu.memref_slice %arg5[%add3A_131, %dma_start3A_132] : memref<320000x128xf32, #tpu.memory_space<hbm>> -> memref<200x128xf32, #tpu.memory_space<hbm>>
          %dma_start3A_134 = arith.constant 0 : i32
          %dma_start3A_135 = tpu.memref_slice %arg5[%add3A_131, %dma_start3A_134] : memref<320000x128xf32, #tpu.memory_space<hbm>> -> memref<200x128xf32, #tpu.memory_space<hbm>>
          tpu.enqueue_dma source(%arg17 : memref<200x128xf32, #tpu.memory_space<vmem>>) target(%dma_start3A_135 : memref<200x128xf32, #tpu.memory_space<hbm>>) target_semaphore(%arg33 : memref<!tpu.dma_semaphore, #tpu.memory_space<semaphore_mem>>)
        } else {
        }
      } else {
      }
      %mul3A_88 = arith.constant 4 : i32
      %mul3A_89 = arith.muli %add3A_61, %mul3A_88 : i32
      %add3A_90 = arith.constant 3 : i32
      %add3A_91 = arith.addi %mul3A_89, %add3A_90 : i32
      %lt3A_92 = arith.constant 50 : i32
      %lt3A_93 = arith.cmpi slt, %add3A_91, %lt3A_92 : i32
      %convert_element_type3A_94 = arith.extui %lt3A_93 : i1 to i32
      %cond3A_95 = arith.constant 0 : i32
      %cond3A_96 = arith.cmpi ne, %convert_element_type3A_94, %cond3A_95 : i32
      scf.if %cond3A_96 {
        %ge3A = arith.constant 4 : i32
        %ge3A_97 = arith.cmpi sge, %add3A_91, %ge3A : i32
        %convert_element_type3A_98 = arith.extui %ge3A_97 : i1 to i32
        %cond3A_99 = arith.constant 0 : i32
        %cond3A_100 = arith.cmpi ne, %convert_element_type3A_98, %cond3A_99 : i32
        scf.if %cond3A_100 {
          %dma_wait3A_125 = arith.constant 0 : i32
          %dma_wait3A_126 = arith.constant 0 : i32
          %dma_wait3A_127 = tpu.memref_slice %arg5[%dma_wait3A_125, %dma_wait3A_126] : memref<320000x128xf32, #tpu.memory_space<hbm>> -> memref<200x128xf32, #tpu.memory_space<hbm>>
          %dma_wait3A_128 = arith.constant 0 : i32
          %dma_wait3A_129 = arith.constant 0 : i32
          %dma_wait3A_130 = tpu.memref_slice %arg5[%dma_wait3A_128, %dma_wait3A_129] : memref<320000x128xf32, #tpu.memory_space<hbm>> -> memref<200x128xf32, #tpu.memory_space<hbm>>
          tpu.wait_dma2 semaphore(%arg35 : memref<!tpu.dma_semaphore, #tpu.memory_space<semaphore_mem>>) src(%arg19 : memref<200x128xf32, #tpu.memory_space<vmem>>) dst(%dma_wait3A_130 : memref<200x128xf32, #tpu.memory_space<hbm>>)
        } else {
        }
        %dma_wait3A_101 = arith.constant 0 : i32
        %dma_wait3A_102 = tpu.memref_slice %arg6[%dma_wait3A_101] : memref<10000xi32, #tpu.memory_space<vmem_shared>> -> memref<10000xi32, #tpu.memory_space<vmem_shared>>
        tpu.wait_indirect_dma semaphore(%arg27 : memref<!tpu.dma_semaphore, #tpu.memory_space<semaphore_mem>>) src(%dma_wait3A_102 : memref<10000xi32, #tpu.memory_space<vmem_shared>>) dst(%arg15 : memref<200xi32, #tpu.memory_space<vmem>>)
        %dma_start3A_103 = arith.constant 0 : i32
        %dma_start3A_104 = arith.constant 0 : i32
        %dma_start3A_105 = tpu.memref_slice %arg7[%dma_start3A_103, %dma_start3A_104] : memref<100x128xf32, #tpu.memory_space<vmem_shared>> -> memref<100x128xf32, #tpu.memory_space<vmem_shared>>
        tpu.enqueue_indirect_dma source(%dma_start3A_105 : memref<100x128xf32, #tpu.memory_space<vmem_shared>>) target(%arg19 : memref<200x128xf32, #tpu.memory_space<vmem>>) offsets(%arg15 : memref<200xi32, #tpu.memory_space<vmem>>) semaphore(%arg31 : memref<!tpu.dma_semaphore, #tpu.memory_space<semaphore_mem>>)
        %add3A_106 = arith.constant 2 : i32
        %add3A_107 = arith.addi %add3A_91, %add3A_106 : i32
        %lt3A_108 = arith.constant 50 : i32
        %lt3A_109 = arith.cmpi slt, %add3A_107, %lt3A_108 : i32
        %convert_element_type3A_110 = arith.extui %lt3A_109 : i1 to i32
        %cond3A_111 = arith.constant 0 : i32
        %cond3A_112 = arith.cmpi ne, %convert_element_type3A_110, %cond3A_111 : i32
        scf.if %cond3A_112 {
          %add3A_125 = arith.constant 2 : i32
          %add3A_126 = arith.addi %add3A_91, %add3A_125 : i32
          %mul3A_127 = arith.constant 200 : i32
          %mul3A_128 = arith.muli %add3A_126, %mul3A_127 : i32
          %add3A_129 = arith.addi %mul3A_2, %mul3A_128 : i32
          %dma_start3A_130 = tpu.memref_slice %arg4[%add3A_129] : memref<320000xi32, #tpu.memory_space<hbm>> -> memref<200xi32, #tpu.memory_space<hbm>>
          %dma_start3A_131 = tpu.memref_slice %arg4[%add3A_129] : memref<320000xi32, #tpu.memory_space<hbm>> -> memref<200xi32, #tpu.memory_space<hbm>>
          tpu.enqueue_dma source(%dma_start3A_131 : memref<200xi32, #tpu.memory_space<hbm>>) target(%arg9 : memref<200xi32, #tpu.memory_space<vmem>>) target_semaphore(%arg21 : memref<!tpu.dma_semaphore, #tpu.memory_space<semaphore_mem>>)
        } else {
        }
        %add3A_113 = arith.constant 1 : i32
        %add3A_114 = arith.addi %add3A_91, %add3A_113 : i32
        %lt3A_115 = arith.constant 50 : i32
        %lt3A_116 = arith.cmpi slt, %add3A_114, %lt3A_115 : i32
        %convert_element_type3A_117 = arith.extui %lt3A_116 : i1 to i32
        %cond3A_118 = arith.constant 0 : i32
        %cond3A_119 = arith.cmpi ne, %convert_element_type3A_117, %cond3A_118 : i32
        scf.if %cond3A_119 {
          %dma_wait3A_125 = arith.constant 0 : i32
          %dma_wait3A_126 = tpu.memref_slice %arg4[%dma_wait3A_125] : memref<320000xi32, #tpu.memory_space<hbm>> -> memref<200xi32, #tpu.memory_space<hbm>>
          %dma_wait3A_127 = arith.constant 0 : i32
          %dma_wait3A_128 = tpu.memref_slice %arg4[%dma_wait3A_127] : memref<320000xi32, #tpu.memory_space<hbm>> -> memref<200xi32, #tpu.memory_space<hbm>>
          tpu.wait_dma2 semaphore(%arg20 : memref<!tpu.dma_semaphore, #tpu.memory_space<semaphore_mem>>) src(%dma_wait3A_128 : memref<200xi32, #tpu.memory_space<hbm>>) dst(%arg8 : memref<200xi32, #tpu.memory_space<vmem>>)
          %dma_start3A_129 = arith.constant 0 : i32
          %dma_start3A_130 = tpu.memref_slice %arg6[%dma_start3A_129] : memref<10000xi32, #tpu.memory_space<vmem_shared>> -> memref<10000xi32, #tpu.memory_space<vmem_shared>>
          tpu.enqueue_indirect_dma source(%dma_start3A_130 : memref<10000xi32, #tpu.memory_space<vmem_shared>>) target(%arg12 : memref<200xi32, #tpu.memory_space<vmem>>) offsets(%arg8 : memref<200xi32, #tpu.memory_space<vmem>>) semaphore(%arg24 : memref<!tpu.dma_semaphore, #tpu.memory_space<semaphore_mem>>)
        } else {
        }
        %ge3A_120 = arith.constant 1 : i32
        %ge3A_121 = arith.cmpi sge, %add3A_91, %ge3A_120 : i32
        %convert_element_type3A_122 = arith.extui %ge3A_121 : i1 to i32
        %cond3A_123 = arith.constant 0 : i32
        %cond3A_124 = arith.cmpi ne, %convert_element_type3A_122, %cond3A_123 : i32
        scf.if %cond3A_124 {
          %dma_wait3A_125 = arith.constant 0 : i32
          %dma_wait3A_126 = arith.constant 0 : i32
          %dma_wait3A_127 = tpu.memref_slice %arg7[%dma_wait3A_125, %dma_wait3A_126] : memref<100x128xf32, #tpu.memory_space<vmem_shared>> -> memref<100x128xf32, #tpu.memory_space<vmem_shared>>
          tpu.wait_indirect_dma semaphore(%arg30 : memref<!tpu.dma_semaphore, #tpu.memory_space<semaphore_mem>>) src(%dma_wait3A_127 : memref<100x128xf32, #tpu.memory_space<vmem_shared>>) dst(%arg18 : memref<200x128xf32, #tpu.memory_space<vmem>>)
          %sub3A = arith.constant 1 : i32
          %sub3A_128 = arith.subi %add3A_91, %sub3A : i32
          %mul3A_129 = arith.constant 200 : i32
          %mul3A_130 = arith.muli %sub3A_128, %mul3A_129 : i32
          %add3A_131 = arith.addi %mul3A_2, %mul3A_130 : i32
          %dma_start3A_132 = arith.constant 0 : i32
          %dma_start3A_133 = tpu.memref_slice %arg5[%add3A_131, %dma_start3A_132] : memref<320000x128xf32, #tpu.memory_space<hbm>> -> memref<200x128xf32, #tpu.memory_space<hbm>>
          %dma_start3A_134 = arith.constant 0 : i32
          %dma_start3A_135 = tpu.memref_slice %arg5[%add3A_131, %dma_start3A_134] : memref<320000x128xf32, #tpu.memory_space<hbm>> -> memref<200x128xf32, #tpu.memory_space<hbm>>
          tpu.enqueue_dma source(%arg18 : memref<200x128xf32, #tpu.memory_space<vmem>>) target(%dma_start3A_135 : memref<200x128xf32, #tpu.memory_space<hbm>>) target_semaphore(%arg34 : memref<!tpu.dma_semaphore, #tpu.memory_space<semaphore_mem>>)
        } else {
        }
      } else {
      }
    }
    %scan3A_23 = arith.constant 13 : i32
    %dma_wait3A_24 = arith.constant 0 : i32
    %dma_wait3A_25 = arith.constant 0 : i32
    %dma_wait3A_26 = tpu.memref_slice %arg7[%dma_wait3A_24, %dma_wait3A_25] : memref<100x128xf32, #tpu.memory_space<vmem_shared>> -> memref<100x128xf32, #tpu.memory_space<vmem_shared>>
    tpu.wait_indirect_dma semaphore(%arg29 : memref<!tpu.dma_semaphore, #tpu.memory_space<semaphore_mem>>) src(%dma_wait3A_26 : memref<100x128xf32, #tpu.memory_space<vmem_shared>>) dst(%arg17 : memref<200x128xf32, #tpu.memory_space<vmem>>)
    %add3A_27 = arith.constant 9800 : i32
    %add3A_28 = arith.addi %mul3A_2, %add3A_27 : i32
    %dma_start3A_29 = arith.constant 0 : i32
    %dma_start3A_30 = tpu.memref_slice %arg5[%add3A_28, %dma_start3A_29] : memref<320000x128xf32, #tpu.memory_space<hbm>> -> memref<200x128xf32, #tpu.memory_space<hbm>>
    %dma_start3A_31 = arith.constant 0 : i32
    %dma_start3A_32 = tpu.memref_slice %arg5[%add3A_28, %dma_start3A_31] : memref<320000x128xf32, #tpu.memory_space<hbm>> -> memref<200x128xf32, #tpu.memory_space<hbm>>
    tpu.enqueue_dma source(%arg17 : memref<200x128xf32, #tpu.memory_space<vmem>>) target(%dma_start3A_32 : memref<200x128xf32, #tpu.memory_space<hbm>>) target_semaphore(%arg33 : memref<!tpu.dma_semaphore, #tpu.memory_space<semaphore_mem>>)
    %dma_wait3A_33 = arith.constant 0 : i32
    %dma_wait3A_34 = arith.constant 0 : i32
    %dma_wait3A_35 = tpu.memref_slice %arg5[%dma_wait3A_33, %dma_wait3A_34] : memref<320000x128xf32, #tpu.memory_space<hbm>> -> memref<200x128xf32, #tpu.memory_space<hbm>>
    %dma_wait3A_36 = arith.constant 0 : i32
    %dma_wait3A_37 = arith.constant 0 : i32
    %dma_wait3A_38 = tpu.memref_slice %arg5[%dma_wait3A_36, %dma_wait3A_37] : memref<320000x128xf32, #tpu.memory_space<hbm>> -> memref<200x128xf32, #tpu.memory_space<hbm>>
    tpu.wait_dma2 semaphore(%arg32 : memref<!tpu.dma_semaphore, #tpu.memory_space<semaphore_mem>>) src(%arg16 : memref<200x128xf32, #tpu.memory_space<vmem>>) dst(%dma_wait3A_38 : memref<200x128xf32, #tpu.memory_space<hbm>>)
    %dma_wait3A_39 = arith.constant 0 : i32
    %dma_wait3A_40 = arith.constant 0 : i32
    %dma_wait3A_41 = tpu.memref_slice %arg5[%dma_wait3A_39, %dma_wait3A_40] : memref<320000x128xf32, #tpu.memory_space<hbm>> -> memref<200x128xf32, #tpu.memory_space<hbm>>
    %dma_wait3A_42 = arith.constant 0 : i32
    %dma_wait3A_43 = arith.constant 0 : i32
    %dma_wait3A_44 = tpu.memref_slice %arg5[%dma_wait3A_42, %dma_wait3A_43] : memref<320000x128xf32, #tpu.memory_space<hbm>> -> memref<200x128xf32, #tpu.memory_space<hbm>>
    tpu.wait_dma2 semaphore(%arg33 : memref<!tpu.dma_semaphore, #tpu.memory_space<semaphore_mem>>) src(%arg17 : memref<200x128xf32, #tpu.memory_space<vmem>>) dst(%dma_wait3A_44 : memref<200x128xf32, #tpu.memory_space<hbm>>)
    %dma_wait3A_45 = arith.constant 0 : i32
    %dma_wait3A_46 = arith.constant 0 : i32
    %dma_wait3A_47 = tpu.memref_slice %arg5[%dma_wait3A_45, %dma_wait3A_46] : memref<320000x128xf32, #tpu.memory_space<hbm>> -> memref<200x128xf32, #tpu.memory_space<hbm>>
    %dma_wait3A_48 = arith.constant 0 : i32
    %dma_wait3A_49 = arith.constant 0 : i32
    %dma_wait3A_50 = tpu.memref_slice %arg5[%dma_wait3A_48, %dma_wait3A_49] : memref<320000x128xf32, #tpu.memory_space<hbm>> -> memref<200x128xf32, #tpu.memory_space<hbm>>
    tpu.wait_dma2 semaphore(%arg34 : memref<!tpu.dma_semaphore, #tpu.memory_space<semaphore_mem>>) src(%arg18 : memref<200x128xf32, #tpu.memory_space<vmem>>) dst(%dma_wait3A_50 : memref<200x128xf32, #tpu.memory_space<hbm>>)
    %dma_wait3A_51 = arith.constant 0 : i32
    %dma_wait3A_52 = arith.constant 0 : i32
    %dma_wait3A_53 = tpu.memref_slice %arg5[%dma_wait3A_51, %dma_wait3A_52] : memref<320000x128xf32, #tpu.memory_space<hbm>> -> memref<200x128xf32, #tpu.memory_space<hbm>>
    %dma_wait3A_54 = arith.constant 0 : i32
    %dma_wait3A_55 = arith.constant 0 : i32
    %dma_wait3A_56 = tpu.memref_slice %arg5[%dma_wait3A_54, %dma_wait3A_55] : memref<320000x128xf32, #tpu.memory_space<hbm>> -> memref<200x128xf32, #tpu.memory_space<hbm>>
    tpu.wait_dma2 semaphore(%arg35 : memref<!tpu.dma_semaphore, #tpu.memory_space<semaphore_mem>>) src(%arg19 : memref<200x128xf32, #tpu.memory_space<vmem>>) dst(%dma_wait3A_56 : memref<200x128xf32, #tpu.memory_space<hbm>>)
    return
  }
}

</mosaic_0001>

<sc_bundles>
// kernel: kernel.3.cloned.1.call-start
scs
__scs_entry_jumppad:
0x0: {  	(pc) =	sbr.rel $0x88, $3  }
0x1: {  	(tag) =	ssettag $0x0;
	lr =	simm.s32 $0x1  }
0x2: {  	[smem:$0x3F9E] =	sst lr;
	_ =	strace $0xD0000000  }
0x3: {  	_ = 	snop  }
0x4: {  	_ = 	snop  }
0x5: {  	_ = 	snop  }
0x6: {  	_ = 	snop  }
0x7: {  	_ = 	snop  }
__scs_overlays_trampoline_lowered:
0x8: {  	[smem:$0x3FAD] =	sst s0  }
0x9: {  	[smem:$0x3FAE] =	sst s1  }
0xa: {  	[smem:$0x3FAF] =	sst s2  }
0xb: {  	[smem:$0x3FB0] =	sst s3  }
0xc: {  	[smem:$0x3FB1] =	sst s4  }
0xd: {  	[smem:$0x3FB2] =	sst s5  }
0xe: {  	[smem:$0x3FB3] =	sst s6  }
0xf: {  	[smem:$0x3FB4] =	sst s7  }
0x10: {  	[smem:$0x3FB5] =	sst s8  }
0x11: {  	[smem:$0x3FB6] =	sst s9;
	s0 =	simm.s32 @!p0 $0x0  }
0x12: {  	s1 =	sld [smem:$0x3F9C];
	s0 =	simm.s32 @p0 $0x1  }
0x13: {  	[smem:$0x3FB7] =	sst s0;
	s0 =	simm.s32 @!p1 $0x0  }
0x14: {  	s2 =	sld [smem:$0x3F9B];
	s0 =	simm.s32 @p1 $0x1  }
0x15: {  	[smem:$0x3FB8] =	sst s0;
	s0 =	simm.s32 @!p2 $0x0  }
0x16: {  	s3 =	sld [smem:$0x3FDB];
	s0 =	simm.s32 @p2 $0x1  }
0x17: {  	s4 =	simm.s32 $0x1BF5;
	[smem:$0x3FBA] =	sst s0  }
0x18: {  	s0 =	sld [smem:$0x3F9D];
	_ =	swait.ge [sflag:s4], $0x0  }
0x19: {  	s7 =	sld [smem:$0x3F9E]  }
0x1a: {  	s8 =	sadd.s32 $0xFFFFE003, lr  }
0x1b: {  	s9 =	sadd.s32 $0xFFFFFEF7, lr;
	s5 =	simm.s32 $0xFFFFFFFF;
	p2 =	slt.u32 s8, $0xFFFFF086  }
0x1c: {  	p1 =	slt.u32 s9, $0xF7A;
	s5 =	simm.s32 @!p2 $0x0  }
0x1d: {  	s5 =	simm.s32 @p1 $0x1;
	p0 =	seq.s32 s7, s2  }
0x1e: {  	s7 =	smul.u32 @!p0 $0xF7A, s2;
	p2 =	seq.s32 @!p0 s5, $0x0  }
0x1f: {  	s9 =	smul.u32 $0xF7A, s1;
	s8 =	simm.s32 @!p0 $0x1BF5;
	p2 =	por !p2, p0  }
0x20: {  	[sflag:s8] =	ssyncset.s32 @!p0 $0xFFFFF086;
	s6 =	sadd.s32 @!p0 s3, s7;
	s7 =	simm.s32 @!p0 $0x108  }
0x21: {  	s3 =	sadd.s32 s3, s9;
	s6 =	sadd.s32 @!p0 $0x88, s6;
	s7 =	simm.s32 @p2 $0x1082  }
0x22: {  	[simem:s7], [sflag:s8] =	dma.local @!p0 [hbm:s6], $0xF7A  }
0x23: {  	s9 =	sor.u32 $0xD0000000, s2;
	s6 =	simm.s32 $0x108;
	_ =	swait.ge @!p0 [sflag:s8], $0x0  }
0x24: {  	s3 =	sadd.s32 $0x88, s3;
	s6 =	simm.s32 @!p1 $0x1082;
	[sflag:s4] =	ssyncset.s32 $0xFFFFF086  }
0x25: {  	[simem:s6], [sflag:s4] =	dma.local [hbm:s3], $0xF7A  }
0x26: {  	[smem:$0x3F9E] =	sst s1;
	(tag) =	ssettag s2;
	_ =	strace s9  }
0x27: {  	s1 =	sld [smem:$0x3FAE]  }
0x28: {  	s2 =	sld [smem:$0x3FAF]  }
0x29: {  	s4 =	sld [smem:$0x3FB1]  }
0x2a: {  	p0 =	seq.s32 s5, $0x0;
	s5 =	sld [smem:$0x3FB2]  }
0x2b: {  	s6 =	sld [smem:$0x3FB3]  }
0x2c: {  	s7 =	sld [smem:$0x3FB4]  }
0x2d: {  	s3 =	simm.s32 $0x108;
	s8 =	sld [smem:$0x3FB5]  }
0x2e: {  	s3 =	simm.s32 @!p0 $0x1082;
	s9 =	sld [smem:$0x3FB6]  }
0x2f: {  	lr =	sadd.s32 s0, s3;
	s0 =	sld [smem:$0x3FAD]  }
0x30: {  	s3 =	sld [smem:$0x3FB0]  }
0x31: {  	[smem:$0x3FB9] =	sst s10  }
0x32: {  	s10 =	sld [smem:$0x3FB7];
	_ =	sdelay $0x3  }
0x33: {  	p0 =	seq.s32 s10, $0x1;
	s10 =	sld [smem:$0x3FB9];
	_ =	sdelay $0x3  }
0x34: {  	[smem:$0x3FB9] =	sst s10  }
0x35: {  	s10 =	sld [smem:$0x3FB8];
	_ =	sdelay $0x3  }
0x36: {  	p1 =	seq.s32 s10, $0x1;
	s10 =	sld [smem:$0x3FB9];
	_ =	sdelay $0x3  }
0x37: {  	[smem:$0x3FB9] =	sst s10  }
0x38: {  	s10 =	sld [smem:$0x3FBA]  }
0x39: {  	_ = 	snop;
	(pc) =	sbr.ind lr, $3  }
0x3a: {  	_ = 	snop  }
0x3b: {  	_ = 	snop  }
0x3c: {  	p2 =	seq.s32 s10, $0x1;
	s10 =	sld [smem:$0x3FB9]  }
0x3d: {  	_ =	shalt  }
0x3e: {  	_ =	shalt  }
0x3f: {  	_ =	shalt  }
0x40: {  	_ =	shalt  }
0x41: {  	_ =	shalt  }
0x42: {  	_ =	shalt  }
0x43: {  	_ =	shalt  }
0x44: {  	_ =	shalt  }
0x45: {  	_ =	shalt  }
0x46: {  	_ =	shalt  }
0x47: {  	_ =	shalt  }
0x48: {  	_ =	shalt  }
0x49: {  	_ =	shalt  }
0x4a: {  	_ =	shalt  }
0x4b: {  	_ =	shalt  }
0x4c: {  	_ =	shalt  }
0x4d: {  	_ =	shalt  }
0x4e: {  	_ =	shalt  }
0x4f: {  	_ =	shalt  }
0x50: {  	_ =	shalt  }
0x51: {  	_ =	shalt  }
0x52: {  	_ =	shalt  }
0x53: {  	_ =	shalt  }
0x54: {  	_ =	shalt  }
0x55: {  	_ =	shalt  }
0x56: {  	_ =	shalt  }
0x57: {  	_ =	shalt  }
0x58: {  	_ =	shalt  }
0x59: {  	_ =	shalt  }
0x5a: {  	_ =	shalt  }
0x5b: {  	_ =	shalt  }
0x5c: {  	_ =	shalt  }
0x5d: {  	_ =	shalt  }
0x5e: {  	_ =	shalt  }
0x5f: {  	_ =	shalt  }
0x60: {  	_ =	shalt  }
0x61: {  	_ =	shalt  }
0x62: {  	_ =	shalt  }
0x63: {  	_ =	shalt  }
0x64: {  	_ =	shalt  }
0x65: {  	_ =	shalt  }
0x66: {  	_ =	shalt  }
0x67: {  	_ =	shalt  }
0x68: {  	_ =	shalt  }
0x69: {  	_ =	shalt  }
0x6a: {  	_ =	shalt  }
0x6b: {  	_ =	shalt  }
0x6c: {  	_ =	shalt  }
0x6d: {  	_ =	shalt  }
0x6e: {  	_ =	shalt  }
0x6f: {  	_ =	shalt  }
0x70: {  	_ =	shalt  }
0x71: {  	_ =	shalt  }
0x72: {  	_ =	shalt  }
0x73: {  	_ =	shalt  }
0x74: {  	_ =	shalt  }
0x75: {  	_ =	shalt  }
0x76: {  	_ =	shalt  }
0x77: {  	_ =	shalt  }
0x78: {  	_ =	shalt  }
0x79: {  	_ =	shalt  }
0x7a: {  	_ =	shalt  }
0x7b: {  	_ =	shalt  }
0x7c: {  	_ =	shalt  }
0x7d: {  	_ =	shalt  }
0x7e: {  	_ =	shalt  }
0x7f: {  	_ =	shalt  }
0x80: {  	_ =	shalt  }
0x81: {  	_ =	shalt  }
0x82: {  	_ =	shalt  }
0x83: {  	_ =	shalt  }
0x84: {  	_ =	shalt  }
0x85: {  	_ =	shalt  }
0x86: {  	_ =	shalt  }
0x87: {  	_ =	shalt  }
.Lfunc_end0:
.L_simem_size_0:
called_computation_lowered:
.L_overlay_start_0:
0x88: {  	s2 =	sld [smem:$0x3FD9]  }
0x89: {  	s3 =	sld [smem:$0x3FFE];
	_ =	sdelay $0x1  }
0x8a: {  	s1 =	srdreg.scid  }
0x8b: {  	s0 =	sand.u32 $0x1, s1  }
0x8c: {  	s18 =	sshll.u32 s0, $0xA;
	s2 =	sadd.s32 s3, s2  }
0x8d: {  	s2 =	sadd.s32 s2, s18  }
0x8e: {  	[smem:$0x3FC5] =	sst s2  }
0x8f: {  	_ = 	snop  }
0x90: {  	s2 =	sld [smem:$0x3FC9]  }
0x91: {  	s19 =	sld [smem:$0x3FC8]  }
0x92: {  	s4 =	sld [smem:$0x3FC7]  }
0x93: {  	s5 =	sld [smem:$0x3FD0];
	(tm) =	ssettm $0x1  }
0x94: {  	s6 =	sld [smem:$0x3FFB];
	_ =	sdelay $0x3  }
0x95: {  	_ =	strace s6  }
0x96: {  	s6 =	sld [smem:$0x3FFC];
	_ =	sdelay $0x3  }
0x97: {  	_ =	strace s6  }
0x98: {  	s6 =	sld [smem:$0x3FFD];
	_ =	sdelay $0x3  }
0x99: {  	_ =	strace s6  }
0x9a: {  	_ =	strace $0x8FFFFFFF  }
0x9b: {  	s20 =	sld [smem:$0x3FDB];
	_ =	sdelay $0x1  }
0x9c: {  	s7 =	simm.s32 $_scs_section_size  }
0x9d: {  	s8 =	simm.s32 $_size__tile_overlayer_lowered;
	s9 =	simm.s32 $_tile_overlayer_lowered  }
0x9e: {  	s23 =	simm.s32 $0x1BFF;
	s22 =	sshll.u32 s9, $0x1;
	s6 =	sadd.s32 s7, s20  }
0x9f: {  	s10 =	simm.s32 $0x0;
	s21 =	sshll.u32 s8, $0x1;
	s8 =	sadd.s32 s22, s6  }
0xa0: {  	[timem:s10], [sflag:s23] =	dma.local [hbm:s8], s21  }
0xa1: {  	_ =	swait.ge [sflag:s23], s21  }
0xa2: {  	s7 =	ssub.s32 $0x0, s21;
	[sflag:s23] =	ssyncset.done $0x0  }
0xa3: {  	[sflag:s23] =	ssyncadd.s32 s7;
	_ =	sdelay $0x1  }
0xa4: {  	s24 =	simm.s32 $0x1B8B  }
0xa5: {  	_ =	swait.ge [sflag:s24], $0x1  }
0xa6: {  	[sflag:s24] =	ssyncset.done $0x0  }
0xa7: {  	s25 =	simm.s32 $0x1B8E;
	[sflag:s24] =	ssyncadd.s32 $0xFFFFFFFF  }
0xa8: {  	s26 =	simm.s32 $execute0_lowered;
	[smem:$0x3FD2] =	sst s25  }
0xa9: {  	s7 =	sshll.u32 s26, $0x1;
	_ =	strace $0x80000046;
	[dreg:$0x1] =	wrdreg $0xFFFFFFFF  }
0xaa: {  	s28 =	simm.s32 $_size_execute0_lowered;
	s6 =	sadd.s32 s6, s7;
	[dreg:$0x0] =	wrdreg $0x0  }
0xab: {  	s7 =	sshll.u32 s28, $0x1;
	[dreg:$0x2] =	wrdreg s6  }
0xac: {  	[dreg:$0x3] =	wrdreg s7  }
0xad: {  	[dreg:$0x4] =	wrdreg $0xC0  }
0xae: {  	_ =	task [dreg:s10], $0x5FFFF  }
0xaf: {  	[dreg:$0x1] =	wrdreg $0xFFFFFFFF  }
0xb0: {  	[dreg:$0x0] =	wrdreg $0x60  }
0xb1: {  	[dreg:$0x2] =	wrdreg s2  }
0xb2: {  	[dreg:$0x3] =	wrdreg s19  }
0xb3: {  	[dreg:$0x4] =	wrdreg s4  }
0xb4: {  	[dreg:$0x5] =	wrdreg s5  }
0xb5: {  	[dreg:$0x6] =	wrdreg $0x2780  }
0xb6: {  	[dreg:$0x7] =	wrdreg $0x0  }
0xb7: {  	[dreg:$0x8] =	wrdreg $0x9  }
0xb8: {  	_ =	task.clear_ibuf [dreg:s10], $0x9FFFF;
	_ =	strace $0x90000046  }
0xb9: {  	s29 =	simm.s32 $0x9;
	_ =	strace $0x80000048  }
0xba: {  	_ =	swait.ge [sflag:s29], $0x1  }
0xbb: {  	[sflag:s29] =	ssyncadd.s32 $0xFFFFFFFF  }
0xbc: {  	_ =	strace $0x90000048  }
0xbd: {  	_ =	sfence  }
0xbe: {  	s30 =	sld [smem:$0x0];
	_ =	sdelay $0x2  }
0xbf: {  	s31 =	sshll.u32 s1, $0xD;
	s1 =	sshrl.u32 s1, $0x2  }
0xc0: {  	s3 =	sand.u32 $0x4000, s31;
	s1 =	sadd.s32 s1, s30  }
0xc1: {  	s0 =	sor.u32 s3, s0;
	s1 =	sshll.u32 s1, $0x11  }
0xc2: {  	s0 =	sor.u32 s1, s0  }
0xc3: {  	s0 =	sadd.s32 $0x8F2B, s0  }
0xc4: {  	[sflag:s0] =	ssyncadd.remote.s32 $0x1  }
0xc5: {  	_ =	sfence.sel $0xFFFF  }
0xc6: {  	[dreg:$0x0] =	wrdreg $0xFFFFFFFF;
	(pc) =	sbr.abs _section_cstart, $3  }
0xc7: {  	[dreg:$0x1] =	wrdreg $0xFFFFFFFF  }
0xc8: {  	_ =	task.clear_ibuf [dreg:s10], $0x2FFFF;
	_ =	strace $0x9FFFFFFF  }
0xc9: {  	(tm) =	ssettm $0x7FFFFFFF  }
tec
execute0_lowered:
.L_overlay_start_1:
0x0: {  	(tag) =	ssettag $0x1  }
0x1: {  	s7 =	rddreg [dreg:$0x2]  }
0x2: {  	s0 =	rddreg [dreg:$0x3]  }
0x3: {  	s5 =	rddreg [dreg:$0x4];
	s1 =	srdreg.scid  }
0x4: {  	s3 =	stileid.u32;
	s6 =	rddreg [dreg:$0x5]  }
0x5: {  	s4 =	simm.s32 $0x0;
	s28 =	simm.s32 $0xA98;
	s29 =	simm.s32 $0x6  }
0x6: {  	s31 =	simm.s32 $0x9;
	s30 =	simm.s32 $0x998;
	s11 =	smul.u32 $0x4E20, s3  }
0x7: {  	s1 =	sand.u32 $0x1, s1;
	s2 =	sshll.u32 s3, $0x1;
	s17 =	smul.u32 $0x4E200, s3  }
0x8: {  	[smem:$0x7FF] =	sst s4;
	p0 =	seq.s32 s3, $0x1;
	s12 =	smul.u32 $0x2710, s1  }
0x9: {  	s2 =	sor.u32 s1, s2;
	s8 =	ssub.s32 $0x2, s1;
	s1 =	smul.u32 $0x27100, s1  }
0xa: {  	_ =	strace $0x80000047;
	p1 =	sne.s32 @!p0 s3, $0x0;
	s15 =	smul.u32 $0x2710, s2  }
0xb: {  	s2 =	smul.u32 $0x138800, s2;
	s9 =	sshrl.u32 s8, $0x1;
	p1 =	por p1, p0  }
0xc: {  	s8 =	ssub.s32 s8, s9;
	s18 =	sadd.s32 s12, s11;
	s10 =	sadd.s32 $0xC8, s15  }
0xd: {  	s4 =	sshrl.u32 s15, $0x3;
	s2 =	sshrl.u32 s2, $0x3;
	s19 =	sadd.s32 $0x3E8, s18  }
0xe: {  	s21 =	smax.u32 s8, $0x1;
	s23 =	sadd.s32 $0x320, s18;
	s24 =	sadd.s32 $0x190, s18  }
0xf: {  	s25 =	sadd.s32 $0x258, s18;
	s18 =	simm.s32 $0x0;
	s10 =	sshrl.u32 s10, $0x3  }
0x10: {  	s4 =	sadd.s32 s7, s4;
	s2 =	sadd.s32 s0, s2;
	[dreg:$0xa] =	wrdreg s21  }
0x11: {  	s0 =	sadd.s32 s17, s0;
	s20 =	sshrl.u32 s19, $0x3;
	[dreg:$0xc] =	wrdreg s23  }
0x12: {  	s23 =	simm.s32 $0x7198;
	[dreg:$0x7] =	wrdreg s4;
	s16 =	sadd.s32 s7, s10  }
0x13: {  	s2 =	sadd.s32 $0x26480, s2;
	s12 =	sadd.s32 s1, s0;
	[dreg:$0x8] =	wrdreg s16  }
0x14: {  	s22 =	sadd.s32 s20, s7;
	s0 =	sshrl.u32 s24, $0x3;
	[dreg:$0x9] =	wrdreg s2  }
0x15: {  	s1 =	sshrl.u32 s25, $0x3;
	[dreg:$0xb] =	wrdreg s22;
	s0 =	sadd.s32 s0, s7  }
0x16: {  	s24 =	simm.s32 $0x5;
	s26 =	sadd.s32 s1, s7;
	[dreg:$0xd] =	wrdreg s0  }
0x17: {  	s25 =	simm.s32 $0xD98;
	[dreg:$0xe] =	wrdreg s26;
	s0 =	sshrl.u32 @p0 s5, $0x3  }
0x18: {  	s22 =	simm.s32 $0xC8;
	[dreg:$0xf] =	wrdreg s0;
	s0 =	sshrl.u32 @!p1 s6, $0x3  }
0x19: {  	s2 =	simm.s32 $0x0;
	s26 =	simm.s32 $0x2;
	[dreg:$0x10] =	wrdreg s0  }
.LBB2_1:
0x1a: {  	[dreg:$0x11] =	wrdreg s2  }
0x1b: {  	s0 =	rddreg [dreg:$0x7]  }
0x1c: {  	s17 =	rddreg [dreg:$0x8]  }
0x1d: {  	s3 =	simm.s32 $0x0;
	s16 =	simm.s32 $0x598;
	s1 =	rddreg [dreg:$0x0]  }
0x1e: {  	[tilespmem:s16], [sflag:$0x1] =	stream.linear.gather [hbm4b:s0+s3], $0xC8, $0x38;
	[tilespmem:$0x19D98] =	vst v63  }
0x1f: {  	s4 =	simm.s32 $0x698;
	s7 =	rddreg [dreg:$0xf];
	s0 =	simm.s32 @p0 $0x1C51  }
0x20: {  	[tilespmem:s4], [sflag:$0x2] =	stream.linear.gather [hbm4b:s17+s3], $0xC8, $0x38;
	[tilespmem:$0x19D98] =	vst v63  }
0x21: {  	[spmem:s7], [sflag:s0] =	dma.local @p0 [hbm:s1], $0x640  }
0x22: {  	s0 =	simm.s32 @p0 $0x11  }
0x23: {  	_ =	swait.ge @p0 [sflag:s0], $0x640  }
0x24: {  	[sflag:s0] =	ssyncset.done @p0 $0x0  }
0x25: {  	s7 =	rddreg [dreg:$0x10];
	[sflag:s0] =	ssyncadd.s32 @p0 $0xFFFFF9C0  }
0x26: {  	s0 =	simm.s32 @!p1 $0x1C11;
	s1 =	rddreg [dreg:$0x1]  }
0x27: {  	[spmem:s7], [sflag:s0] =	dma.local @!p1 [hbm:s1], $0x4F0  }
0x28: {  	s0 =	simm.s32 @!p1 $0x11  }
0x29: {  	_ =	swait.ge @!p1 [sflag:s0], $0x4F0  }
0x2a: {  	[sflag:s0] =	ssyncset.done @!p1 $0x0  }
0x2b: {  	[sflag:s0] =	ssyncadd.s32 @!p1 $0xFFFFFB10  }
0x2c: {  	s19 =	simm.s32 $0x1;
	[bflag:$0x0] =	sbarrier.arrive $0xFFFF  }
0x2d: {  	p4 =	por $0x1, $0x1;
	_ =	swait.ge [sflag:s19], $0xC8  }
0x2e: {  	p3 =	por p4, p4;
	[sflag:s19] =	ssyncset.done $0x0  }
0x2f: {  	s20 =	simm.s32 $0x998;
	s0 =	simm.s32 @!p3 $0xD;
	[sflag:s19] =	ssyncadd.s32 $0xFFFFFF38  }
0x30: {  	[tilespmem:s20], [sflag:$0x5] =	stream.indirect.gather [spmem:s6], $0x1, s16, s22, $0xb8;
	[tilespmem:$0x19D98] =	vst v63  }
0x31: {  	_ =	swait.ge @!p3 [sflag:s0], $0x6400  }
0x32: {  	[sflag:s0] =	ssyncset.done @!p3 $0x0  }
0x33: {  	[sflag:s0] =	ssyncadd.s32 @!p3 $0xFFFF9C00  }
0x34: {  	_ =	swait.ge [sflag:s24], $0xC8  }
0x35: {  	[sflag:s24] =	ssyncset.done $0x0  }
0x36: {  	p2 =	por $0x0, $0x0;
	[sflag:s24] =	ssyncadd.s32 $0xFFFFFF38  }
0x37: {  	[tilespmem:s25], [sflag:$0x9] =	stream.indirect.gather [spmem:s5], $0x80, s20, s22, $0xb8;
	[tilespmem:$0x19D98] =	vst v63  }
0x38: {  	s17 =	simm.s32 @!p2 $0x0;
	s1 =	simm.s32 @!p2 $0x798;
	s9 =	rddreg [dreg:$0xd]  }
0x39: {  	[tilespmem:s1], [sflag:$0x3] =	stream.linear.gather @!p2 [hbm4b:s9+s17], $0xC8, $0x38;
	[tilespmem:$0x19D98] =	vst v63  }
0x3a: {  	_ =	swait.ge [sflag:s26], $0xC8  }
0x3b: {  	[sflag:s26] =	ssyncset.done $0x0  }
0x3c: {  	s0 =	simm.s32 @!p3 $0xC;
	[sflag:s26] =	ssyncadd.s32 $0xFFFFFF38  }
0x3d: {  	[tilespmem:s28], [sflag:$0x6] =	stream.indirect.gather [spmem:s6], $0x1, s4, s22, $0xb8;
	[tilespmem:$0x19D98] =	vst v63  }
0x3e: {  	s2 =	sadd.s32 @!p4 $0x0, s12;
	_ =	swait.ge @!p3 [sflag:s0], $0x6400  }
0x3f: {  	s2 =	sadd.s32 @!p4 $0xFFFFF380, s2;
	s8 =	simm.s32 @!p3 $0x13998;
	[sflag:s0] =	ssyncset.done @!p3 $0x0  }
0x40: {  	s4 =	simm.s32 @!p3 $0x0;
	[sflag:s0] =	ssyncadd.s32 @!p3 $0xFFFF9C00;
	s0 =	simm.s32 @!p3 $0xE  }
0x41: {  	[hbm4b:s2+s4] =	stream.linear.scatter @!p3 [tilespmem:s8], [sflag:$0x10], $0x6400, $0x38;
	[tilespmem:$0x19D98] =	vst v63  }
0x42: {  	_ =	swait.ge @!p3 [sflag:s0], $0x6400  }
0x43: {  	[sflag:s0] =	ssyncset.done @!p3 $0x0  }
0x44: {  	[sflag:s0] =	ssyncadd.s32 @!p3 $0xFFFF9C00  }
0x45: {  	_ =	swait.ge [sflag:s29], $0xC8  }
0x46: {  	[sflag:s29] =	ssyncset.done $0x0  }
0x47: {  	s4 =	simm.s32 @!p2 $0x3;
	p3 =	por $0x0, $0x0;
	[sflag:s29] =	ssyncadd.s32 $0xFFFFFF38  }
0x48: {  	[tilespmem:s23], [sflag:$0xA] =	stream.indirect.gather [spmem:s5], $0x80, s28, s22, $0xb8;
	[tilespmem:$0x19D98] =	vst v63  }
0x49: {  	s0 =	simm.s32 @!p3 $0x0;
	s2 =	simm.s32 @!p3 $0x898;
	s16 =	rddreg [dreg:$0xe]  }
0x4a: {  	[tilespmem:s2], [sflag:$0x4] =	stream.linear.gather @!p3 [hbm4b:s16+s0], $0xC8, $0x38;
	[tilespmem:$0x19D98] =	vst v63  }
0x4b: {  	_ =	swait.ge @!p2 [sflag:s4], $0xC8  }
0x4c: {  	[sflag:s4] =	ssyncset.done @!p2 $0x0  }
0x4d: {  	s0 =	simm.s32 @!p2 $0xC8;
	s2 =	simm.s32 @!p2 $0xB98;
	[sflag:s4] =	ssyncadd.s32 @!p2 $0xFFFFFF38  }
0x4e: {  	[tilespmem:s2], [sflag:$0x7] =	stream.indirect.gather @!p2 [spmem:s6], $0x1, s1, s0, $0xb8;
	[tilespmem:$0x19D98] =	vst v63  }
0x4f: {  	p3 =	por @!p2 $0x1, $0x1;
	_ =	swait.ge [sflag:s31], $0x6400  }
0x50: {  	p3 =	por p3, p2;
	[sflag:s31] =	ssyncset.done $0x0  }
0x51: {  	s21 =	sadd.s32 $0x0, s12;
	s4 =	simm.s32 @!p3 $0xF;
	[sflag:s31] =	ssyncadd.s32 $0xFFFF9C00  }
0x52: {  	[hbm4b:s21+s3] =	stream.linear.scatter [tilespmem:s25], [sflag:$0xD], $0x6400, $0x38;
	[tilespmem:$0x19D98] =	vst v63  }
0x53: {  	_ =	swait.ge @!p3 [sflag:s4], $0x6400  }
0x54: {  	[sflag:s4] =	ssyncset.done @!p3 $0x0  }
0x55: {  	s1 =	simm.s32 @!p2 $0x7;
	[sflag:s4] =	ssyncadd.s32 @!p3 $0xFFFF9C00  }
0x56: {  	_ =	swait.ge @!p2 [sflag:s1], $0xC8  }
0x57: {  	[sflag:s1] =	ssyncset.done @!p2 $0x0  }
0x58: {  	s8 =	simm.s32 @!p2 $0xD598;
	s7 =	rddreg [dreg:$0xc];
	[sflag:s1] =	ssyncadd.s32 @!p2 $0xFFFFFF38  }
0x59: {  	[tilespmem:s8], [sflag:$0xB] =	stream.indirect.gather @!p2 [spmem:s5], $0x80, s2, s0, $0xb8;
	[tilespmem:$0x19D98] =	vst v63  }
0x5a: {  	s4 =	sshrl.u32 @!p2 s7, $0x3;
	s1 =	rddreg [dreg:$0x2]  }
0x5b: {  	s11 =	simm.s32 @!p2 $0x598;
	s2 =	simm.s32 @!p2 $0x4;
	s1 =	sadd.s32 @!p2 s1, s4  }
0x5c: {  	[tilespmem:s11], [sflag:$0x1] =	stream.linear.gather @!p2 [hbm4b:s1+s17], $0xC8, $0x38;
	[tilespmem:$0x19D98] =	vst v63  }
0x5d: {  	_ =	swait.ge @!p2 [sflag:s2], $0xC8  }
0x5e: {  	s10 =	simm.s32 @!p2 $0xA;
	[sflag:s2] =	ssyncset.done @!p2 $0x0  }
0x5f: {  	s4 =	simm.s32 @!p2 $0xC98;
	s1 =	simm.s32 @!p2 $0x898;
	[sflag:s2] =	ssyncadd.s32 @!p2 $0xFFFFFF38  }
0x60: {  	[tilespmem:s4], [sflag:$0x8] =	stream.indirect.gather @!p2 [spmem:s6], $0x1, s1, s0, $0xb8;
	[tilespmem:$0x19D98] =	vst v63  }
0x61: {  	_ =	swait.ge @!p2 [sflag:s10], $0x6400  }
0x62: {  	s13 =	simm.s32 @!p2 $0x7198;
	s1 =	sadd.s32 @!p2 $0x0, s12;
	[sflag:s10] =	ssyncset.done @!p2 $0x0  }
0x63: {  	s14 =	simm.s32 @!p3 $0x10;
	s2 =	sadd.s32 @!p2 $0xC80, s1;
	[sflag:s10] =	ssyncadd.s32 @!p2 $0xFFFF9C00  }
0x64: {  	[hbm4b:s2+s17] =	stream.linear.scatter @!p2 [tilespmem:s13], [sflag:$0xE], $0x6400, $0x38;
	[tilespmem:$0x19D98] =	vst v63  }
0x65: {  	_ =	swait.ge @!p3 [sflag:s14], $0x6400  }
0x66: {  	[sflag:s14] =	ssyncset.done @!p3 $0x0  }
0x67: {  	s13 =	simm.s32 @!p2 $0x8;
	[sflag:s14] =	ssyncadd.s32 @!p3 $0xFFFF9C00  }
0x68: {  	s15 =	simm.s32 @!p2 $0x998;
	_ =	swait.ge @!p2 [sflag:s13], $0xC8  }
0x69: {  	s20 =	sadd.s32 $0x64, s16;
	s21 =	simm.s32 $0x7;
	[sflag:s13] =	ssyncset.done @!p2 $0x0  }
0x6a: {  	s19 =	sadd.s32 $0x320, s7;
	s14 =	simm.s32 @!p2 $0x13998;
	[sflag:s13] =	ssyncadd.s32 @!p2 $0xFFFFFF38  }
0x6b: {  	[tilespmem:s14], [sflag:$0xC] =	stream.indirect.gather @!p2 [spmem:s5], $0x80, s4, s0, $0xb8;
	[tilespmem:$0x19D98] =	vst v63  }
0x6c: {  	s3 =	rddreg [dreg:$0xb];
	s13 =	simm.s32 @!p2 $0x698;
	s14 =	simm.s32 @!p2 $0x1  }
0x6d: {  	[tilespmem:s13], [sflag:$0x2] =	stream.linear.gather @!p2 [hbm4b:s3+s17], $0xC8, $0x38;
	[tilespmem:$0x19D98] =	vst v63  }
0x6e: {  	s1 =	sadd.s32 @!p2 $0x1900, s1;
	p3 =	por $0x0, $0x0;
	_ =	swait.ge @!p2 [sflag:s14], $0xC8  }
0x6f: {  	s10 =	simm.s32 $0x3200;
	s4 =	sadd.s32 @!p3 $0x3200, s12;
	[sflag:s14] =	ssyncset.done @!p2 $0x0  }
0x70: {  	s2 =	simm.s32 $0x6400;
	s4 =	sadd.s32 @!p3 $0xFFFFF380, s4;
	[sflag:s14] =	ssyncadd.s32 @!p2 $0xFFFFFF38  }
0x71: {  	[tilespmem:s15], [sflag:$0x5] =	stream.indirect.gather @!p2 [spmem:s6], $0x1, s11, s0, $0xb8;
	[tilespmem:$0x19D98] =	vst v63  }
0x72: {  	p3 =	por p3, p3;
	s13 =	simm.s32 @!p2 $0xB;
	s0 =	sadd.s32 $0x64, s9  }
0x73: {  	s15 =	simm.s32 @!p3 $0xD;
	s11 =	sadd.s32 $0x64, s3;
	_ =	swait.ge @!p2 [sflag:s13], $0x6400  }
.LBB2_2:
0x74: {  	[sflag:s13] =	ssyncset.done @!p2 $0x0  }
0x75: {  	[sflag:s13] =	ssyncadd.s32 @!p2 $0xFFFF9C00  }
0x76: {  	[hbm4b:s1+s17] =	stream.linear.scatter @!p2 [tilespmem:s8], [sflag:$0xF], $0x6400, $0x38;
	[tilespmem:$0x19D98] =	vst v63  }
0x77: {  	_ =	swait.ge @!p3 [sflag:s15], $0x6400  }
0x78: {  	[sflag:s15] =	ssyncset.done @!p3 $0x0  }
0x79: {  	[sflag:s15] =	ssyncadd.s32 @!p3 $0xFFFF9C00  }
0x7a: {  	_ =	swait.ge [sflag:s24], $0xC8  }
0x7b: {  	s7 =	sadd.s32 $0xFFFFFFFF, s21;
	[sflag:s24] =	ssyncset.done $0x0  }
0x7c: {  	p5 =	seq.s32 s2, $0x0;
	p2 =	sgt.u32 s7, $0x31;
	[sflag:s24] =	ssyncadd.s32 $0xFFFFFF38  }
0x7d: {  	[tilespmem:s25], [sflag:$0x9] =	stream.indirect.gather [spmem:s5], $0x80, s30, s22, $0xb8;
	[tilespmem:$0x19D98] =	vst v63  }
0x7e: {  	s14 =	smov.u32 s2;
	s17 =	simm.s32 @!p2 $0x0;
	s9 =	simm.s32 @!p2 $0x798  }
0x7f: {  	[tilespmem:s9], [sflag:$0x3] =	stream.linear.gather @!p2 [hbm4b:s0+s17], $0xC8, $0x38;
	[tilespmem:$0x19D98] =	vst v63  }
0x80: {  	s16 =	sadd.s32 @!p5 s14, s12;
	_ =	swait.ge [sflag:s26], $0xC8  }
0x81: {  	s8 =	sadd.s32 @!p5 $0xFFFFF380, s16;
	s7 =	simm.s32 $0x698;
	[sflag:s26] =	ssyncset.done $0x0  }
0x82: {  	s1 =	sshrl.u32 @!p2 s19, $0x3;
	s15 =	sadd.s32 @!p2 s10, s12;
	s3 =	rddreg [dreg:$0x2]  }
0x83: {  	[sflag:s26] =	ssyncadd.s32 $0xFFFFFF38;
	s16 =	sadd.s32 @!p2 s3, s1;
	s3 =	simm.s32 @!p3 $0xC  }
0x84: {  	[tilespmem:s28], [sflag:$0x6] =	stream.indirect.gather [spmem:s6], $0x1, s7, s22, $0xb8;
	[tilespmem:$0x19D98] =	vst v63  }
0x85: {  	s13 =	sadd.s32 @!p2 $0xC80, s15;
	_ =	swait.ge @!p3 [sflag:s3], $0x6400  }
0x86: {  	s1 =	sadd.s32 @!p2 $0x1900, s15;
	s15 =	simm.s32 @!p3 $0x0;
	[sflag:s3] =	ssyncset.done @!p3 $0x0  }
0x87: {  	s7 =	simm.s32 @!p3 $0x13998;
	[sflag:s3] =	ssyncadd.s32 @!p3 $0xFFFF9C00;
	s3 =	simm.s32 @!p3 $0xE  }
0x88: {  	[hbm4b:s4+s15] =	stream.linear.scatter @!p3 [tilespmem:s7], [sflag:$0x10], $0x6400, $0x38;
	[tilespmem:$0x19D98] =	vst v63  }
0x89: {  	_ =	swait.ge @!p3 [sflag:s3], $0x6400  }
0x8a: {  	[sflag:s3] =	ssyncset.done @!p3 $0x0  }
0x8b: {  	[sflag:s3] =	ssyncadd.s32 @!p3 $0xFFFF9C00  }
0x8c: {  	_ =	swait.ge [sflag:s29], $0xC8  }
0x8d: {  	s4 =	smov.u32 s8;
	[sflag:s29] =	ssyncset.done $0x0  }
0x8e: {  	p3 =	por p5, p5;
	p5 =	sgt.u32 s21, $0x31;
	[sflag:s29] =	ssyncadd.s32 $0xFFFFFF38  }
0x8f: {  	[tilespmem:s23], [sflag:$0xA] =	stream.indirect.gather [spmem:s5], $0x80, s28, s22, $0xb8;
	[tilespmem:$0x19D98] =	vst v63  }
0x90: {  	s8 =	simm.s32 @!p2 $0x3;
	s3 =	simm.s32 @!p5 $0x0;
	s7 =	simm.s32 @!p5 $0x898  }
0x91: {  	[tilespmem:s7], [sflag:$0x4] =	stream.linear.gather @!p5 [hbm4b:s20+s3], $0xC8, $0x38;
	[tilespmem:$0x19D98] =	vst v63  }
0x92: {  	_ =	swait.ge @!p2 [sflag:s8], $0xC8  }
0x93: {  	[sflag:s8] =	ssyncset.done @!p2 $0x0  }
0x94: {  	s15 =	simm.s32 @!p2 $0xC8;
	s3 =	simm.s32 @!p2 $0xB98;
	[sflag:s8] =	ssyncadd.s32 @!p2 $0xFFFFFF38  }
0x95: {  	[tilespmem:s3], [sflag:$0x7] =	stream.indirect.gather @!p2 [spmem:s6], $0x1, s9, s15, $0xb8;
	[tilespmem:$0x19D98] =	vst v63  }
0x96: {  	p6 =	seq.s32 @!p2 s10, $0x0;
	_ =	swait.ge [sflag:s31], $0x6400  }
0x97: {  	p5 =	por p6, p2;
	[sflag:s31] =	ssyncset.done $0x0  }
0x98: {  	s8 =	simm.s32 @!p5 $0xF;
	s9 =	sadd.s32 s10, s12;
	[sflag:s31] =	ssyncadd.s32 $0xFFFF9C00  }
0x99: {  	[hbm4b:s9+s18] =	stream.linear.scatter [tilespmem:s25], [sflag:$0xD], $0x6400, $0x38;
	[tilespmem:$0x19D98] =	vst v63  }
0x9a: {  	_ =	swait.ge @!p5 [sflag:s8], $0x6400  }
0x9b: {  	[sflag:s8] =	ssyncset.done @!p5 $0x0  }
0x9c: {  	s7 =	simm.s32 @!p2 $0x7;
	[sflag:s8] =	ssyncadd.s32 @!p5 $0xFFFF9C00  }
0x9d: {  	_ =	swait.ge @!p2 [sflag:s7], $0xC8  }
0x9e: {  	[sflag:s7] =	ssyncset.done @!p2 $0x0  }
0x9f: {  	s8 =	simm.s32 @!p2 $0xD598;
	[sflag:s7] =	ssyncadd.s32 @!p2 $0xFFFFFF38  }
0xa0: {  	[tilespmem:s8], [sflag:$0xB] =	stream.indirect.gather @!p2 [spmem:s5], $0x80, s3, s15, $0xb8;
	[tilespmem:$0x19D98] =	vst v63  }
0xa1: {  	s10 =	smov.u32 s14;
	s14 =	simm.s32 @!p2 $0x598;
	s3 =	simm.s32 @!p2 $0x4  }
0xa2: {  	[tilespmem:s14], [sflag:$0x1] =	stream.linear.gather @!p2 [hbm4b:s16+s17], $0xC8, $0x38;
	[tilespmem:$0x19D98] =	vst v63  }
0xa3: {  	_ =	swait.ge @!p2 [sflag:s3], $0xC8  }
0xa4: {  	s9 =	simm.s32 @!p2 $0xC98;
	[sflag:s3] =	ssyncset.done @!p2 $0x0  }
0xa5: {  	s7 =	simm.s32 @!p2 $0x898;
	s16 =	simm.s32 @!p2 $0xA;
	[sflag:s3] =	ssyncadd.s32 @!p2 $0xFFFFFF38  }
0xa6: {  	[tilespmem:s9], [sflag:$0x8] =	stream.indirect.gather @!p2 [spmem:s6], $0x1, s7, s15, $0xb8;
	[tilespmem:$0x19D98] =	vst v63  }
0xa7: {  	_ =	swait.ge @!p2 [sflag:s16], $0x6400  }
0xa8: {  	[sflag:s16] =	ssyncset.done @!p2 $0x0  }
0xa9: {  	s3 =	simm.s32 @!p2 $0x7198;
	s7 =	simm.s32 @!p5 $0x10;
	[sflag:s16] =	ssyncadd.s32 @!p2 $0xFFFF9C00  }
0xaa: {  	[hbm4b:s13+s17] =	stream.linear.scatter @!p2 [tilespmem:s3], [sflag:$0xE], $0x6400, $0x38;
	[tilespmem:$0x19D98] =	vst v63  }
0xab: {  	_ =	swait.ge @!p5 [sflag:s7], $0x6400  }
0xac: {  	[sflag:s7] =	ssyncset.done @!p5 $0x0  }
0xad: {  	s3 =	simm.s32 @!p2 $0x8;
	[sflag:s7] =	ssyncadd.s32 @!p5 $0xFFFF9C00  }
0xae: {  	_ =	swait.ge @!p2 [sflag:s3], $0xC8  }
0xaf: {  	s2 =	sadd.s32 $0x3200, s2;
	[sflag:s3] =	ssyncset.done @!p2 $0x0  }
0xb0: {  	p4 =	sne.s32 s2, $0x28A00;
	s7 =	simm.s32 @!p2 $0x13998;
	[sflag:s3] =	ssyncadd.s32 @!p2 $0xFFFFFF38  }
0xb1: {  	[tilespmem:s7], [sflag:$0xC] =	stream.indirect.gather @!p2 [spmem:s5], $0x80, s9, s15, $0xb8;
	[tilespmem:$0x19D98] =	vst v63  }
0xb2: {  	s19 =	sadd.s32 $0x320, s19;
	s13 =	simm.s32 @!p2 $0x698;
	s3 =	simm.s32 @!p2 $0x1  }
0xb3: {  	[tilespmem:s13], [sflag:$0x2] =	stream.linear.gather @!p2 [hbm4b:s11+s17], $0xC8, $0x38;
	[tilespmem:$0x19D98] =	vst v63  }
.Ltmp0:
0xb4: {  	s0 =	sadd.s32 $0x64, s0;
	_ =	swait.ge @!p2 [sflag:s3], $0xC8;
	(pc) =	sbr.rel @p4 .LBB2_2-.Ltmp0, $4  }
0xb5: {  	s21 =	sadd.s32 $0x4, s21;
	s20 =	sadd.s32 $0x64, s20;
	[sflag:s3] =	ssyncset.done @!p2 $0x0  }
0xb6: {  	s7 =	simm.s32 @!p2 $0x998;
	s13 =	simm.s32 @!p2 $0xB;
	[sflag:s3] =	ssyncadd.s32 @!p2 $0xFFFFFF38  }
0xb7: {  	[tilespmem:s7], [sflag:$0x5] =	stream.indirect.gather @!p2 [spmem:s6], $0x1, s14, s15, $0xb8;
	[tilespmem:$0x19D98] =	vst v63  }
0xb8: {  	s11 =	sadd.s32 $0x64, s11;
	s15 =	simm.s32 @!p3 $0xD;
	_ =	swait.ge @!p2 [sflag:s13], $0x6400  }
0xb9: {  	[sflag:s13] =	ssyncset.done @!p2 $0x0  }
0xba: {  	[sflag:s13] =	ssyncadd.s32 @!p2 $0xFFFF9C00  }
0xbb: {  	[hbm4b:s1+s17] =	stream.linear.scatter @!p2 [tilespmem:s8], [sflag:$0xF], $0x6400, $0x38;
	[tilespmem:$0x19D98] =	vst v63  }
0xbc: {  	_ =	swait.ge @!p3 [sflag:s15], $0x6400  }
0xbd: {  	[sflag:s15] =	ssyncset.done @!p3 $0x0  }
0xbe: {  	[sflag:s15] =	ssyncadd.s32 @!p3 $0xFFFF9C00  }
0xbf: {  	_ =	swait.ge [sflag:s24], $0xC8  }
0xc0: {  	s17 =	sadd.s32 $0xFFFFFFFF, s21;
	[sflag:s24] =	ssyncset.done $0x0  }
0xc1: {  	p2 =	sgt.u32 s17, $0x31;
	[sflag:s24] =	ssyncadd.s32 $0xFFFFFF38  }
0xc2: {  	[tilespmem:s25], [sflag:$0x9] =	stream.indirect.gather [spmem:s5], $0x80, s30, s22, $0xb8;
	[tilespmem:$0x19D98] =	vst v63  }
0xc3: {  	s1 =	simm.s32 @!p2 $0x0;
	s2 =	simm.s32 @!p2 $0x798  }
0xc4: {  	[tilespmem:s2], [sflag:$0x3] =	stream.linear.gather @!p2 [hbm4b:s0+s1], $0xC8, $0x38;
	[tilespmem:$0x19D98] =	vst v63  }
0xc5: {  	_ =	swait.ge [sflag:s26], $0xC8  }
0xc6: {  	[sflag:s26] =	ssyncset.done $0x0  }
0xc7: {  	s3 =	simm.s32 $0x698;
	s0 =	simm.s32 @!p3 $0xC;
	[sflag:s26] =	ssyncadd.s32 $0xFFFFFF38  }
0xc8: {  	[tilespmem:s28], [sflag:$0x6] =	stream.indirect.gather [spmem:s6], $0x1, s3, s22, $0xb8;
	[tilespmem:$0x19D98] =	vst v63  }
0xc9: {  	_ =	swait.ge @!p3 [sflag:s0], $0x6400  }
0xca: {  	[sflag:s0] =	ssyncset.done @!p3 $0x0  }
0xcb: {  	s3 =	simm.s32 @!p3 $0x0;
	[sflag:s0] =	ssyncadd.s32 @!p3 $0xFFFF9C00;
	s0 =	simm.s32 @!p3 $0x13998  }
0xcc: {  	[hbm4b:s4+s3] =	stream.linear.scatter @!p3 [tilespmem:s0], [sflag:$0x10], $0x6400, $0x38;
	[tilespmem:$0x19D98] =	vst v63  }
0xcd: {  	s0 =	simm.s32 @!p3 $0xE  }
0xce: {  	_ =	swait.ge @!p3 [sflag:s0], $0x6400  }
0xcf: {  	[sflag:s0] =	ssyncset.done @!p3 $0x0  }
0xd0: {  	[sflag:s0] =	ssyncadd.s32 @!p3 $0xFFFF9C00  }
0xd1: {  	_ =	swait.ge [sflag:s29], $0xC8  }
0xd2: {  	[sflag:s29] =	ssyncset.done $0x0  }
0xd3: {  	s14 =	simm.s32 $0x7198;
	p3 =	sgt.u32 s21, $0x31;
	[sflag:s29] =	ssyncadd.s32 $0xFFFFFF38  }
0xd4: {  	[tilespmem:s14], [sflag:$0xA] =	stream.indirect.gather [spmem:s5], $0x80, s28, s22, $0xb8;
	[tilespmem:$0x19D98] =	vst v63  }
0xd5: {  	s4 =	simm.s32 @!p2 $0x3;
	s0 =	simm.s32 @!p3 $0x0;
	s3 =	simm.s32 @!p3 $0x898  }
0xd6: {  	[tilespmem:s3], [sflag:$0x4] =	stream.linear.gather @!p3 [hbm4b:s20+s0], $0xC8, $0x38;
	[tilespmem:$0x19D98] =	vst v63  }
0xd7: {  	_ =	swait.ge @!p2 [sflag:s4], $0xC8  }
0xd8: {  	[sflag:s4] =	ssyncset.done @!p2 $0x0  }
0xd9: {  	s0 =	simm.s32 @!p2 $0xC8;
	s3 =	simm.s32 @!p2 $0xB98;
	[sflag:s4] =	ssyncadd.s32 @!p2 $0xFFFFFF38  }
0xda: {  	[tilespmem:s3], [sflag:$0x7] =	stream.indirect.gather @!p2 [spmem:s6], $0x1, s2, s0, $0xb8;
	[tilespmem:$0x19D98] =	vst v63  }
0xdb: {  	p3 =	seq.s32 @!p2 s10, $0x0;
	_ =	swait.ge [sflag:s31], $0x6400  }
0xdc: {  	s21 =	simm.s32 $0x0;
	p3 =	por p3, p2;
	[sflag:s31] =	ssyncset.done $0x0  }
0xdd: {  	s20 =	sadd.s32 s10, s12;
	s4 =	simm.s32 @!p3 $0xF;
	[sflag:s31] =	ssyncadd.s32 $0xFFFF9C00  }
0xde: {  	[hbm4b:s20+s21] =	stream.linear.scatter [tilespmem:s25], [sflag:$0xD], $0x6400, $0x38;
	[tilespmem:$0x19D98] =	vst v63  }
0xdf: {  	_ =	swait.ge @!p3 [sflag:s4], $0x6400  }
0xe0: {  	[sflag:s4] =	ssyncset.done @!p3 $0x0  }
0xe1: {  	s2 =	simm.s32 @!p2 $0x7;
	[sflag:s4] =	ssyncadd.s32 @!p3 $0xFFFF9C00  }
0xe2: {  	_ =	swait.ge @!p2 [sflag:s2], $0xC8  }
0xe3: {  	[sflag:s2] =	ssyncset.done @!p2 $0x0  }
0xe4: {  	s7 =	simm.s32 @!p2 $0xD598;
	[sflag:s2] =	ssyncadd.s32 @!p2 $0xFFFFFF38  }
0xe5: {  	[tilespmem:s7], [sflag:$0xB] =	stream.indirect.gather @!p2 [spmem:s5], $0x80, s3, s0, $0xb8;
	[tilespmem:$0x19D98] =	vst v63  }
0xe6: {  	s4 =	sshrl.u32 @!p2 s19, $0x3;
	s2 =	rddreg [dreg:$0x2]  }
0xe7: {  	s3 =	simm.s32 @!p2 $0x598;
	s2 =	sadd.s32 @!p2 s2, s4;
	s4 =	simm.s32 @!p2 $0x4  }
0xe8: {  	[tilespmem:s3], [sflag:$0x1] =	stream.linear.gather @!p2 [hbm4b:s2+s1], $0xC8, $0x38;
	[tilespmem:$0x19D98] =	vst v63  }
0xe9: {  	_ =	swait.ge @!p2 [sflag:s4], $0xC8  }
0xea: {  	s8 =	simm.s32 @!p2 $0xC98;
	[sflag:s4] =	ssyncset.done @!p2 $0x0  }
0xeb: {  	s2 =	simm.s32 @!p2 $0x898;
	[sflag:s4] =	ssyncadd.s32 @!p2 $0xFFFFFF38;
	s4 =	simm.s32 @!p2 $0xA  }
0xec: {  	[tilespmem:s8], [sflag:$0x8] =	stream.indirect.gather @!p2 [spmem:s6], $0x1, s2, s0, $0xb8;
	[tilespmem:$0x19D98] =	vst v63  }
0xed: {  	_ =	swait.ge @!p2 [sflag:s4], $0x6400  }
0xee: {  	s2 =	sadd.s32 @!p2 s10, s12;
	[sflag:s4] =	ssyncset.done @!p2 $0x0  }
0xef: {  	s9 =	sadd.s32 @!p2 $0xC80, s2;
	[sflag:s4] =	ssyncadd.s32 @!p2 $0xFFFF9C00;
	s4 =	simm.s32 @!p2 $0x7198  }
0xf0: {  	[hbm4b:s9+s1] =	stream.linear.scatter @!p2 [tilespmem:s4], [sflag:$0xE], $0x6400, $0x38;
	[tilespmem:$0x19D98] =	vst v63  }
0xf1: {  	s4 =	simm.s32 @!p3 $0x10  }
0xf2: {  	_ =	swait.ge @!p3 [sflag:s4], $0x6400  }
0xf3: {  	[sflag:s4] =	ssyncset.done @!p3 $0x0  }
0xf4: {  	[sflag:s4] =	ssyncadd.s32 @!p3 $0xFFFF9C00;
	s4 =	simm.s32 @!p2 $0x8  }
0xf5: {  	_ =	swait.ge @!p2 [sflag:s4], $0xC8  }
0xf6: {  	[sflag:s4] =	ssyncset.done @!p2 $0x0  }
0xf7: {  	[sflag:s4] =	ssyncadd.s32 @!p2 $0xFFFFFF38;
	s4 =	simm.s32 @!p2 $0x13998  }
0xf8: {  	[tilespmem:s4], [sflag:$0xC] =	stream.indirect.gather @!p2 [spmem:s5], $0x80, s8, s0, $0xb8;
	[tilespmem:$0x19D98] =	vst v63  }
0xf9: {  	s4 =	simm.s32 @!p2 $0x698  }
0xfa: {  	[tilespmem:s4], [sflag:$0x2] =	stream.linear.gather @!p2 [hbm4b:s11+s1], $0xC8, $0x38;
	[tilespmem:$0x19D98] =	vst v63  }
0xfb: {  	s4 =	simm.s32 @!p2 $0x1  }
0xfc: {  	_ =	swait.ge @!p2 [sflag:s4], $0xC8  }
0xfd: {  	[sflag:s4] =	ssyncset.done @!p2 $0x0  }
0xfe: {  	[sflag:s4] =	ssyncadd.s32 @!p2 $0xFFFFFF38;
	s4 =	simm.s32 @!p2 $0x998  }
0xff: {  	[tilespmem:s4], [sflag:$0x5] =	stream.indirect.gather @!p2 [spmem:s6], $0x1, s3, s0, $0xb8;
	[tilespmem:$0x19D98] =	vst v63  }
0x100: {  	s0 =	simm.s32 @!p2 $0xB  }
0x101: {  	_ =	swait.ge @!p2 [sflag:s0], $0x6400  }
0x102: {  	[sflag:s0] =	ssyncset.done @!p2 $0x0  }
0x103: {  	s10 =	simm.s32 $0xA;
	[sflag:s0] =	ssyncadd.s32 @!p2 $0xFFFF9C00;
	s0 =	sadd.s32 @!p2 $0x1900, s2  }
0x104: {  	[hbm4b:s0+s1] =	stream.linear.scatter @!p2 [tilespmem:s7], [sflag:$0xF], $0x6400, $0x38;
	[tilespmem:$0x19D98] =	vst v63  }
0x105: {  	_ =	swait.ge [sflag:s10], $0x6400  }
0x106: {  	[sflag:s10] =	ssyncset.done $0x0  }
0x107: {  	s15 =	simm.s32 $0xD;
	s11 =	rddreg [dreg:$0x9];
	[sflag:s10] =	ssyncadd.s32 $0xFFFF9C00  }
0x108: {  	[hbm4b:s11+s21] =	stream.linear.scatter [tilespmem:s14], [sflag:$0xE], $0x6400, $0x38;
	[tilespmem:$0x19D98] =	vst v63  }
0x109: {  	_ =	swait.ge [sflag:s15], $0x6400  }
0x10a: {  	[sflag:s15] =	ssyncset.done $0x0  }
0x10b: {  	s16 =	simm.s32 $0xE;
	[sflag:s15] =	ssyncadd.s32 $0xFFFF9C00  }
0x10c: {  	_ =	swait.ge [sflag:s16], $0x6400  }
0x10d: {  	[sflag:s16] =	ssyncset.done $0x0  }
0x10e: {  	s17 =	simm.s32 $0xF;
	[sflag:s16] =	ssyncadd.s32 $0xFFFF9C00  }
0x10f: {  	_ =	swait.ge [sflag:s17], $0x6400  }
0x110: {  	[sflag:s17] =	ssyncset.done $0x0  }
0x111: {  	s19 =	simm.s32 $0x10;
	[sflag:s17] =	ssyncadd.s32 $0xFFFF9C00  }
0x112: {  	_ =	swait.ge [sflag:s19], $0x6400  }
0x113: {  	s20 =	rddreg [dreg:$0x11]  }
0x114: {  	s21 =	rddreg [dreg:$0xa];
	s2 =	sadd.s32 $0x1, s20  }
0x115: {  	p2 =	sne.s32 s2, s21  }
.Ltmp1:
0x116: {  	_ = 	snop;
	(pc) =	sbr.rel @p2 .LBB2_1-.Ltmp1, $3  }
0x117: {  	_ =	sdelay $0x1  }
0x118: {  	[sflag:s19] =	ssyncset.done $0x0  }
0x119: {  	s23 =	simm.s32 $0x7198;
	[sflag:s19] =	ssyncadd.s32 $0xFFFF9C00  }
0x11a: {  	_ =	sfence.sel $0x180000  }
0x11b: {  	[bflag:$0x0] =	sbarrier.arrive $0xFFFF  }
0x11c: {  	_ =	strace $0x90000047  }
0x11d: {  	s0 =	stileid.u32;
	[bflag:$0x2] =	sbarrier.arrive $0xFFFF  }
0x11e: {  	p0 =	sne.s32 s0, $0x0;
	s0 =	rddreg [dreg:$0x6]  }
0x11f: {  	s0 =	sadd.s32 @!p0 $0x100000, s0  }
0x120: {  	[sflag:s0] =	ssyncadd.tile.s32 @!p0 $0x1;
	_ =	shalt  }
.Lfunc_end2:
_tile_overlayer_lowered:
.L_overlay_start_2:
0x121: {  	(tag) =	ssettag $0x2  }
0x122: {  	s0 =	rddreg [dreg:$0x0];
	s2 =	stileid.u32  }
0x123: {  	s1 =	rddreg [dreg:$0x1];
	p0 =	sne.s32 s2, $0x0  }
0x124: {  	s3 =	rddreg [dreg:$0x2];
	[bflag:$0x3] =	sbarrier.arrive $0xFFFF;
	s2 =	simm.s32 @!p0 $0x1C11  }
0x125: {  	[timem:s3], [sflag:s2] =	dma.local @!p0 [hbm:s0], s1  }
0x126: {  	s0 =	simm.s32 @!p0 $0x11  }
0x127: {  	_ =	swait.ge @!p0 [sflag:s0], s1  }
0x128: {  	s1 =	ssub.s32 @!p0 $0x0, s1;
	[sflag:s0] =	ssyncset.done @!p0 $0x0  }
0x129: {  	[sflag:s0] =	ssyncadd.s32 @!p0 s1  }
0x12a: {  	[bflag:$0x3] =	sbarrier.arrive $0xFFFF  }
0x12b: {  	_ =	shalt  }

</sc_bundles>
